<compile_context>
chip_gen: v7x
topology: tpu7x:2x2x1
jax: 0.10.2.dev20260603
libtpu: 0.0.44.dev20260713+nightly
codegen_flags: <defaults>
</compile_context>

<pallas_src>
import functools

import jax
import jax.numpy as jnp
from jax.experimental import pallas as pl
from jax.experimental.pallas import tpu as pltpu

_BLOCK_W = 4096

_KS0 = 0
_KS1 = 42
_KS2 = (0x1BD11BDA ^ _KS0 ^ _KS1) & 0xFFFFFFFF
_ROTATIONS = ((13, 15, 26, 6), (17, 29, 16, 24))


def _threefry_bits(flat_idx):
    ks = (jnp.uint32(_KS0), jnp.uint32(_KS1), jnp.uint32(_KS2))
    x0 = jnp.zeros_like(flat_idx) + ks[0]
    x1 = flat_idx + ks[1]
    for i in range(5):
        for r in _ROTATIONS[i % 2]:
            x0 = x0 + x1
            x1 = (x1 << r) | (x1 >> (32 - r))
            x1 = x0 ^ x1
        x0 = x0 + ks[(i + 1) % 3]
        x1 = x1 + ks[(i + 2) % 3] + jnp.uint32(i + 1)
    return x0 ^ x1


def _gumbel(flat_idx):
    bits = _threefry_bits(flat_idx)
    fbits = (bits >> 9) | jnp.uint32(0x3F800000)
    u = jax.lax.bitcast_convert_type(fbits, jnp.float32) - 1.0
    return -jnp.log(-jnp.log(u + 1e-20) + 1e-20)


_CHUNK_W = 512


def _partial_argmax_kernel(x_ref, z_ref, m_ref, a_ref, *, ncols, block_w):
    z_ref[...] = jnp.zeros_like(z_ref)
    j = pl.program_id(0)
    rows = x_ref.shape[0]
    cshape = (rows, _CHUNK_W)
    col0 = (jax.lax.broadcasted_iota(jnp.int32, cshape, 1)
            + j * block_w)
    row = jax.lax.broadcasted_iota(jnp.int32, cshape, 0)
    flat0 = (row * ncols + col0).astype(jnp.uint32)
    bm = None
    for k in range(block_w // _CHUNK_W):
        x = x_ref[:, k * _CHUNK_W:(k + 1) * _CHUNK_W]
        col = col0 + (k * _CHUNK_W)
        flat = flat0 + jnp.uint32(k * _CHUNK_W)
        z = x + _gumbel(flat)
        z = jnp.where(col < ncols, z, -jnp.inf)
        m = jnp.max(z, axis=1, keepdims=True)
        cand = jnp.where(z == m, col, jnp.int32(2**31 - 1))
        a = jnp.min(cand, axis=1, keepdims=True)
        if bm is None:
            bm, ba = m, a
        else:
            upd = m > bm
            bm = jnp.where(upd, m, bm)
            ba = jnp.where(upd, a, ba)
    m_ref[0] = bm
    a_ref[0] = ba


def _merge_kernel(m_ref, a_ref, idx_ref):
    gmax = jnp.max(m_ref[...], axis=0)
    cand = jnp.where(m_ref[...] == gmax[None], a_ref[...],
                     jnp.int32(2**31 - 1))
    idx_ref[...] = jnp.min(cand, axis=0)


_SCAT_W = 500
_SCAT_K = 8


def _scatter_kernel(idx_ref, z_ref, o_ref):
    del z_ref
    r = pl.program_id(0)
    target = idx_ref[r]
    b = target // (_SCAT_K * _SCAT_W)
    sub = jax.lax.broadcasted_iota(jnp.int32, (1, _SCAT_K, _SCAT_W), 1)
    lane = jax.lax.broadcasted_iota(jnp.int32, (1, _SCAT_K, _SCAT_W), 2)
    col = (b * _SCAT_K + sub) * _SCAT_W + lane
    o_ref[...] = (col == target).astype(jnp.float32)


@jax.jit
def kernel(logits):
    rows, ncols = logits.shape
    nb = pl.cdiv(ncols, _BLOCK_W)

    zeros, m_all, a_all = pl.pallas_call(
        functools.partial(_partial_argmax_kernel, ncols=ncols,
                          block_w=_BLOCK_W),
        grid=(nb,),
        in_specs=[pl.BlockSpec((rows, _BLOCK_W), lambda j: (0, j))],
        out_specs=[
            pl.BlockSpec((rows, _BLOCK_W), lambda j: (0, j)),
            pl.BlockSpec((1, rows, 1), lambda j: (j, 0, 0)),
            pl.BlockSpec((1, rows, 1), lambda j: (j, 0, 0)),
        ],
        out_shape=[
            jax.ShapeDtypeStruct((rows, ncols), jnp.float32),
            jax.ShapeDtypeStruct((nb, rows, 1), jnp.float32),
            jax.ShapeDtypeStruct((nb, rows, 1), jnp.int32),
        ],
        compiler_params=pltpu.CompilerParams(
            dimension_semantics=("parallel",)),
    )(logits)

    idx = pl.pallas_call(
        _merge_kernel,
        grid=(1,),
        in_specs=[
            pl.BlockSpec((nb, rows, 1), lambda j: (0, 0, 0)),
            pl.BlockSpec((nb, rows, 1), lambda j: (0, 0, 0)),
        ],
        out_specs=pl.BlockSpec((rows, 1), lambda j: (0, 0)),
        out_shape=jax.ShapeDtypeStruct((rows, 1), jnp.int32),
    )(m_all, a_all)

    nsb = ncols // (_SCAT_K * _SCAT_W)
    zview = zeros.reshape(rows, nsb * _SCAT_K, _SCAT_W)
    out = pl.pallas_call(
        _scatter_kernel,
        grid_spec=pltpu.PrefetchScalarGridSpec(
            num_scalar_prefetch=1,
            grid=(rows,),
            in_specs=[
                pl.BlockSpec(
                    (1, _SCAT_K, _SCAT_W),
                    lambda r, idx_ref: (r, idx_ref[r] // (_SCAT_K * _SCAT_W),
                                        0)),
            ],
            out_specs=pl.BlockSpec(
                (1, _SCAT_K, _SCAT_W),
                lambda r, idx_ref: (r, idx_ref[r] // (_SCAT_K * _SCAT_W), 0)),
        ),
        out_shape=jax.ShapeDtypeStruct(zview.shape, jnp.float32),
        input_output_aliases={1: 0},
    )(idx.reshape(rows), zview)
    return out.reshape(rows, ncols)

# --- scband reference (transcript-rebuilt; emitter-appended) ---
"""Pipeline reference for scband-gumbel-softmax-3461743641121 (READ-ONLY COPY).

The authoritative reference and input builder live on the scoring server;
editing this copy changes nothing except your own understanding.
"""

import jax, jax.numpy as jnp
import numpy as np

TEMPERATURE = 1.0
EPS = 1e-20

def setup_inputs(seed: int = 0) -> dict:
    key = jax.random.key(seed)
    logits = jax.random.normal(key, (128, 100000), dtype=jnp.float32)
    return {"logits": logits}

def reference(logits):
    # sample_gumbel: U ~ Uniform(0,1), g = -log(-log(U+eps)+eps)
    gkey = jax.random.key(42)
    U = jax.random.uniform(gkey, logits.shape, dtype=logits.dtype)
    g = -jnp.log(-jnp.log(U + EPS) + EPS)
    # gumbel_softmax_sample
    y = jax.nn.softmax((logits + g) / TEMPERATURE, axis=-1)
    # hard one-hot via scatter-overwrite (torch scatter_ on dim=1)
    ind = jnp.argmax(y, axis=-1)
    rows = jnp.arange(y.shape[0])
    y_hard = jnp.zeros_like(y).at[rows, ind].set(1.0)
    # straight-through estimator
    return jax.lax.stop_gradient(y_hard - y) + y

if __name__ == "__main__":
    import jax
    _d = setup_inputs()
    print(jax.jit(kernel)(*tuple(_d.values())))

</pallas_src>

<mosaic_0001>
module attributes {stable_mosaic.version = 14 : i64} {
  func.func @_merge_kernel(%arg0: i32, %arg1: memref<25x128x1xf32, #tpu.memory_space<vmem>>, %arg2: memref<25x128x1xi32, #tpu.memory_space<vmem>>, %arg3: memref<128x1xi32, #tpu.memory_space<vmem>>) attributes {dimension_semantics = [#tpu.dimension_semantics<arbitrary>], iteration_bounds = array<i64: 1>, scalar_prefetch = 0 : i64, scratch_operands = 0 : i64, tpu.core_type = #tpu.core_type<tc>, window_params = [{pipeline_mode = #tpu.pipeline_mode<synchronous>, transform_indices = @transform_0, window_bounds = array<i64: 25, 128, 1>}, {pipeline_mode = #tpu.pipeline_mode<synchronous>, transform_indices = @transform_1, window_bounds = array<i64: 25, 128, 1>}, {pipeline_mode = #tpu.pipeline_mode<synchronous>, transform_indices = @transform_2, window_bounds = array<i64: 128, 1>}]} {
    %get3A = arith.constant 0 : index
    %get3A_0 = arith.constant 0 : index
    %get3A_1 = arith.constant 0 : index
    %get3A_2 = vector.load %arg1[%get3A, %get3A_0, %get3A_1] : memref<25x128x1xf32, #tpu.memory_space<vmem>>, vector<25x128x1xf32>
    %reduce_max3A = arith.constant dense<0xFF800000> : vector<128x1xf32>
    %reduce_max3A_3 = vector.multi_reduction <maximumf>, %get3A_2, %reduce_max3A [0] : vector<25x128x1xf32> to vector<128x1xf32>
    %get3A_4 = arith.constant 0 : index
    %get3A_5 = arith.constant 0 : index
    %get3A_6 = arith.constant 0 : index
    %get3A_7 = vector.load %arg1[%get3A_4, %get3A_5, %get3A_6] : memref<25x128x1xf32, #tpu.memory_space<vmem>>, vector<25x128x1xf32>
    %broadcast_in_dim3A = vector.shape_cast %reduce_max3A_3 : vector<128x1xf32> to vector<1x128x1xf32>
    %eq3A = vector.broadcast %broadcast_in_dim3A : vector<1x128x1xf32> to vector<25x128x1xf32>
    %eq3A_8 = arith.cmpf oeq, %get3A_7, %eq3A : vector<25x128x1xf32>
    %get3A_9 = arith.constant 0 : index
    %get3A_10 = arith.constant 0 : index
    %get3A_11 = arith.constant 0 : index
    %get3A_12 = vector.load %arg2[%get3A_9, %get3A_10, %get3A_11] : memref<25x128x1xi32, #tpu.memory_space<vmem>>, vector<25x128x1xi32>
    %jit3A = arith.constant 2147483647 : i32
    %broadcast_in_dim3A_13 = vector.broadcast %jit3A : i32 to vector<25x128x1xi32>
    %select_n3A = arith.select %eq3A_8, %get3A_12, %broadcast_in_dim3A_13 : vector<25x128x1xi1>, vector<25x128x1xi32>
    %reduce_min3A = arith.constant dense<2147483647> : vector<128x1xi32>
    %reduce_min3A_14 = vector.multi_reduction <minsi>, %select_n3A, %reduce_min3A [0] : vector<25x128x1xi32> to vector<128x1xi32>
    %swap3A = arith.constant 0 : index
    %swap3A_15 = arith.constant 0 : index
    %swap3A_16 = vector.load %arg3[%swap3A, %swap3A_15] : memref<128x1xi32, #tpu.memory_space<vmem>>, vector<128x1xi32>
    tpu.vector_store %arg3[%swap3A, %swap3A_15], %reduce_min3A_14 {strides = array<i32>} : memref<128x1xi32, #tpu.memory_space<vmem>>, vector<128x1xi32>,
    return
  }
  func.func @transform_0(%arg0: i32) -> (i32, i32, i32) {
    %c0_i32 = arith.constant 0 : i32
    %c0_i32_0 = arith.constant 0 : i32
    %c0_i32_1 = arith.constant 0 : i32
    %c0_i32_2 = arith.constant 0 : i32
    return %c0_i32, %c0_i32_0, %c0_i32_1 : i32, i32, i32
  }
  func.func @transform_1(%arg0: i32) -> (i32, i32, i32) {
    %c0_i32 = arith.constant 0 : i32
    %c0_i32_0 = arith.constant 0 : i32
    %c0_i32_1 = arith.constant 0 : i32
    %c0_i32_2 = arith.constant 0 : i32
    return %c0_i32, %c0_i32_0, %c0_i32_1 : i32, i32, i32
  }
  func.func @transform_2(%arg0: i32) -> (i32, i32) {
    %c0_i32 = arith.constant 0 : i32
    %c0_i32_0 = arith.constant 0 : i32
    %c0_i32_1 = arith.constant 0 : i32
    return %c0_i32, %c0_i32_0 : i32, i32
  }
}

module attributes {stable_mosaic.version = 14 : i64} {
  func.func @_partial_argmax_kernel(%arg0: i32, %arg1: memref<128x4096xf32, #tpu.memory_space<vmem>>, %arg2: memref<128x4096xf32, #tpu.memory_space<vmem>>, %arg3: memref<1x128x1xf32, #tpu.memory_space<vmem>>, %arg4: memref<1x128x1xi32, #tpu.memory_space<vmem>>) attributes {dimension_semantics = [#tpu.dimension_semantics<parallel>], iteration_bounds = array<i64: 25>, scalar_prefetch = 0 : i64, scratch_operands = 0 : i64, tpu.core_type = #tpu.core_type<tc>, window_params = [{transform_indices = @transform_0, window_bounds = array<i64: 128, 4096>}, {transform_indices = @transform_1, window_bounds = array<i64: 128, 4096>}, {transform_indices = @transform_2, window_bounds = array<i64: 1, 128, 1>}, {transform_indices = @transform_3, window_bounds = array<i64: 1, 128, 1>}]} {
    %broadcast_in_dim3A = arith.constant 0.000000e+00 : f32
    %broadcast_in_dim3A_0 = vector.broadcast %broadcast_in_dim3A : f32 to vector<128x4096xf32>
    %swap3A = arith.constant 0 : index
    %swap3A_1 = arith.constant 0 : index
    %swap3A_2 = vector.load %arg2[%swap3A, %swap3A_1] : memref<128x4096xf32, #tpu.memory_space<vmem>>, vector<128x4096xf32>
    tpu.vector_store %arg2[%swap3A, %swap3A_1], %broadcast_in_dim3A_0 {strides = array<i32>} : memref<128x4096xf32, #tpu.memory_space<vmem>>, vector<128x4096xf32>,
    %iota3A = tpu.iota {dimensions = array<i32: 1>} : vector<128x512xi32>
    %mul3A = arith.constant 4096 : i32
    %mul3A_3 = arith.muli %arg0, %mul3A : i32
    %add3A = vector.broadcast %mul3A_3 : i32 to vector<128x512xi32>
    %add3A_4 = arith.addi %iota3A, %add3A : vector<128x512xi32>
    %iota3A_5 = tpu.iota {dimensions = array<i32: 0>} : vector<128x512xi32>
    %mul3A_6 = arith.constant 100000 : i32
    %mul3A_7 = vector.broadcast %mul3A_6 : i32 to vector<128x512xi32>
    %mul3A_8 = arith.muli %iota3A_5, %mul3A_7 : vector<128x512xi32>
    %add3A_9 = arith.addi %mul3A_8, %add3A_4 : vector<128x512xi32>
    %get3A = arith.constant 0 : index
    %get3A_10 = arith.constant 0 : index
    %get3A_11 = vector.load %arg1[%get3A, %get3A_10] : memref<128x4096xf32, #tpu.memory_space<vmem>>, vector<128x512xf32>
    %add3A_12 = arith.constant 0 : i32
    %add3A_13 = vector.broadcast %add3A_12 : i32 to vector<128x512xi32>
    %add3A_14 = arith.addi %add3A_4, %add3A_13 : vector<128x512xi32>
    %add3A_15 = arith.constant 0 : i32
    %add3A_16 = vector.broadcast %add3A_15 : i32 to vector<128x512xi32>
    %add3A_17 = arith.addi %add3A_9, %add3A_16 : vector<128x512xi32>
    %broadcast_in_dim3A_18 = arith.constant 0 : i32
    %broadcast_in_dim3A_19 = vector.broadcast %broadcast_in_dim3A_18 : i32 to vector<128x512xi32>
    %add3A_20 = arith.constant 0 : i32
    %add3A_21 = vector.broadcast %add3A_20 : i32 to vector<128x512xi32>
    %add3A_22 = arith.addi %broadcast_in_dim3A_19, %add3A_21 : vector<128x512xi32>
    %add3A_23 = arith.constant 42 : i32
    %add3A_24 = vector.broadcast %add3A_23 : i32 to vector<128x512xi32>
    %add3A_25 = arith.addi %add3A_17, %add3A_24 : vector<128x512xi32>
    %add3A_26 = arith.addi %add3A_22, %add3A_25 : vector<128x512xi32>
    %shift_left3A = arith.constant 13 : i32
    %shift_left3A_27 = vector.broadcast %shift_left3A : i32 to vector<128x512xi32>
    %shift_left3A_28 = arith.shli %add3A_25, %shift_left3A_27 : vector<128x512xi32>
    %shift_right_logical3A = arith.constant 19 : i32
    %shift_right_logical3A_29 = vector.broadcast %shift_right_logical3A : i32 to vector<128x512xi32>
    %shift_right_logical3A_30 = arith.shrui %add3A_25, %shift_right_logical3A_29 : vector<128x512xi32>
    %or3A = arith.ori %shift_left3A_28, %shift_right_logical3A_30 : vector<128x512xi32>
    %xor3A = arith.xori %add3A_26, %or3A : vector<128x512xi32>
    %add3A_31 = arith.addi %add3A_26, %xor3A : vector<128x512xi32>
    %shift_left3A_32 = arith.constant 15 : i32
    %shift_left3A_33 = vector.broadcast %shift_left3A_32 : i32 to vector<128x512xi32>
    %shift_left3A_34 = arith.shli %xor3A, %shift_left3A_33 : vector<128x512xi32>
    %shift_right_logical3A_35 = arith.constant 17 : i32
    %shift_right_logical3A_36 = vector.broadcast %shift_right_logical3A_35 : i32 to vector<128x512xi32>
    %shift_right_logical3A_37 = arith.shrui %xor3A, %shift_right_logical3A_36 : vector<128x512xi32>
    %or3A_38 = arith.ori %shift_left3A_34, %shift_right_logical3A_37 : vector<128x512xi32>
    %xor3A_39 = arith.xori %add3A_31, %or3A_38 : vector<128x512xi32>
    %add3A_40 = arith.addi %add3A_31, %xor3A_39 : vector<128x512xi32>
    %shift_left3A_41 = arith.constant 26 : i32
    %shift_left3A_42 = vector.broadcast %shift_left3A_41 : i32 to vector<128x512xi32>
    %shift_left3A_43 = arith.shli %xor3A_39, %shift_left3A_42 : vector<128x512xi32>
    %shift_right_logical3A_44 = arith.constant 6 : i32
    %shift_right_logical3A_45 = vector.broadcast %shift_right_logical3A_44 : i32 to vector<128x512xi32>
    %shift_right_logical3A_46 = arith.shrui %xor3A_39, %shift_right_logical3A_45 : vector<128x512xi32>
    %or3A_47 = arith.ori %shift_left3A_43, %shift_right_logical3A_46 : vector<128x512xi32>
    %xor3A_48 = arith.xori %add3A_40, %or3A_47 : vector<128x512xi32>
    %add3A_49 = arith.addi %add3A_40, %xor3A_48 : vector<128x512xi32>
    %shift_left3A_50 = arith.constant 6 : i32
    %shift_left3A_51 = vector.broadcast %shift_left3A_50 : i32 to vector<128x512xi32>
    %shift_left3A_52 = arith.shli %xor3A_48, %shift_left3A_51 : vector<128x512xi32>
    %shift_right_logical3A_53 = arith.constant 26 : i32
    %shift_right_logical3A_54 = vector.broadcast %shift_right_logical3A_53 : i32 to vector<128x512xi32>
    %shift_right_logical3A_55 = arith.shrui %xor3A_48, %shift_right_logical3A_54 : vector<128x512xi32>
    %or3A_56 = arith.ori %shift_left3A_52, %shift_right_logical3A_55 : vector<128x512xi32>
    %xor3A_57 = arith.xori %add3A_49, %or3A_56 : vector<128x512xi32>
    %add3A_58 = arith.constant 42 : i32
    %add3A_59 = vector.broadcast %add3A_58 : i32 to vector<128x512xi32>
    %add3A_60 = arith.addi %add3A_49, %add3A_59 : vector<128x512xi32>
    %add3A_61 = arith.constant 466689008 : i32
    %add3A_62 = vector.broadcast %add3A_61 : i32 to vector<128x512xi32>
    %add3A_63 = arith.addi %xor3A_57, %add3A_62 : vector<128x512xi32>
    %add3A_64 = arith.constant 1 : i32
    %add3A_65 = vector.broadcast %add3A_64 : i32 to vector<128x512xi32>
    %add3A_66 = arith.addi %add3A_63, %add3A_65 : vector<128x512xi32>
    %add3A_67 = arith.addi %add3A_60, %add3A_66 : vector<128x512xi32>
    %shift_left3A_68 = arith.constant 17 : i32
    %shift_left3A_69 = vector.broadcast %shift_left3A_68 : i32 to vector<128x512xi32>
    %shift_left3A_70 = arith.shli %add3A_66, %shift_left3A_69 : vector<128x512xi32>
    %shift_right_logical3A_71 = arith.constant 15 : i32
    %shift_right_logical3A_72 = vector.broadcast %shift_right_logical3A_71 : i32 to vector<128x512xi32>
    %shift_right_logical3A_73 = arith.shrui %add3A_66, %shift_right_logical3A_72 : vector<128x512xi32>
    %or3A_74 = arith.ori %shift_left3A_70, %shift_right_logical3A_73 : vector<128x512xi32>
    %xor3A_75 = arith.xori %add3A_67, %or3A_74 : vector<128x512xi32>
    %add3A_76 = arith.addi %add3A_67, %xor3A_75 : vector<128x512xi32>
    %shift_left3A_77 = arith.constant 29 : i32
    %shift_left3A_78 = vector.broadcast %shift_left3A_77 : i32 to vector<128x512xi32>
    %shift_left3A_79 = arith.shli %xor3A_75, %shift_left3A_78 : vector<128x512xi32>
    %shift_right_logical3A_80 = arith.constant 3 : i32
    %shift_right_logical3A_81 = vector.broadcast %shift_right_logical3A_80 : i32 to vector<128x512xi32>
    %shift_right_logical3A_82 = arith.shrui %xor3A_75, %shift_right_logical3A_81 : vector<128x512xi32>
    %or3A_83 = arith.ori %shift_left3A_79, %shift_right_logical3A_82 : vector<128x512xi32>
    %xor3A_84 = arith.xori %add3A_76, %or3A_83 : vector<128x512xi32>
    %add3A_85 = arith.addi %add3A_76, %xor3A_84 : vector<128x512xi32>
    %shift_left3A_86 = arith.constant 16 : i32
    %shift_left3A_87 = vector.broadcast %shift_left3A_86 : i32 to vector<128x512xi32>
    %shift_left3A_88 = arith.shli %xor3A_84, %shift_left3A_87 : vector<128x512xi32>
    %shift_right_logical3A_89 = arith.constant 16 : i32
    %shift_right_logical3A_90 = vector.broadcast %shift_right_logical3A_89 : i32 to vector<128x512xi32>
    %shift_right_logical3A_91 = arith.shrui %xor3A_84, %shift_right_logical3A_90 : vector<128x512xi32>
    %or3A_92 = arith.ori %shift_left3A_88, %shift_right_logical3A_91 : vector<128x512xi32>
    %xor3A_93 = arith.xori %add3A_85, %or3A_92 : vector<128x512xi32>
    %add3A_94 = arith.addi %add3A_85, %xor3A_93 : vector<128x512xi32>
    %shift_left3A_95 = arith.constant 24 : i32
    %shift_left3A_96 = vector.broadcast %shift_left3A_95 : i32 to vector<128x512xi32>
    %shift_left3A_97 = arith.shli %xor3A_93, %shift_left3A_96 : vector<128x512xi32>
    %shift_right_logical3A_98 = arith.constant 8 : i32
    %shift_right_logical3A_99 = vector.broadcast %shift_right_logical3A_98 : i32 to vector<128x512xi32>
    %shift_right_logical3A_100 = arith.shrui %xor3A_93, %shift_right_logical3A_99 : vector<128x512xi32>
    %or3A_101 = arith.ori %shift_left3A_97, %shift_right_logical3A_100 : vector<128x512xi32>
    %xor3A_102 = arith.xori %add3A_94, %or3A_101 : vector<128x512xi32>
    %add3A_103 = arith.constant 466689008 : i32
    %add3A_104 = vector.broadcast %add3A_103 : i32 to vector<128x512xi32>
    %add3A_105 = arith.addi %add3A_94, %add3A_104 : vector<128x512xi32>
    %add3A_106 = arith.constant 0 : i32
    %add3A_107 = vector.broadcast %add3A_106 : i32 to vector<128x512xi32>
    %add3A_108 = arith.addi %xor3A_102, %add3A_107 : vector<128x512xi32>
    %add3A_109 = arith.constant 2 : i32
    %add3A_110 = vector.broadcast %add3A_109 : i32 to vector<128x512xi32>
    %add3A_111 = arith.addi %add3A_108, %add3A_110 : vector<128x512xi32>
    %add3A_112 = arith.addi %add3A_105, %add3A_111 : vector<128x512xi32>
    %shift_left3A_113 = arith.constant 13 : i32
    %shift_left3A_114 = vector.broadcast %shift_left3A_113 : i32 to vector<128x512xi32>
    %shift_left3A_115 = arith.shli %add3A_111, %shift_left3A_114 : vector<128x512xi32>
    %shift_right_logical3A_116 = arith.constant 19 : i32
    %shift_right_logical3A_117 = vector.broadcast %shift_right_logical3A_116 : i32 to vector<128x512xi32>
    %shift_right_logical3A_118 = arith.shrui %add3A_111, %shift_right_logical3A_117 : vector<128x512xi32>
    %or3A_119 = arith.ori %shift_left3A_115, %shift_right_logical3A_118 : vector<128x512xi32>
    %xor3A_120 = arith.xori %add3A_112, %or3A_119 : vector<128x512xi32>
    %add3A_121 = arith.addi %add3A_112, %xor3A_120 : vector<128x512xi32>
    %shift_left3A_122 = arith.constant 15 : i32
    %shift_left3A_123 = vector.broadcast %shift_left3A_122 : i32 to vector<128x512xi32>
    %shift_left3A_124 = arith.shli %xor3A_120, %shift_left3A_123 : vector<128x512xi32>
    %shift_right_logical3A_125 = arith.constant 17 : i32
    %shift_right_logical3A_126 = vector.broadcast %shift_right_logical3A_125 : i32 to vector<128x512xi32>
    %shift_right_logical3A_127 = arith.shrui %xor3A_120, %shift_right_logical3A_126 : vector<128x512xi32>
    %or3A_128 = arith.ori %shift_left3A_124, %shift_right_logical3A_127 : vector<128x512xi32>
    %xor3A_129 = arith.xori %add3A_121, %or3A_128 : vector<128x512xi32>
    %add3A_130 = arith.addi %add3A_121, %xor3A_129 : vector<128x512xi32>
    %shift_left3A_131 = arith.constant 26 : i32
    %shift_left3A_132 = vector.broadcast %shift_left3A_131 : i32 to vector<128x512xi32>
    %shift_left3A_133 = arith.shli %xor3A_129, %shift_left3A_132 : vector<128x512xi32>
    %shift_right_logical3A_134 = arith.constant 6 : i32
    %shift_right_logical3A_135 = vector.broadcast %shift_right_logical3A_134 : i32 to vector<128x512xi32>
    %shift_right_logical3A_136 = arith.shrui %xor3A_129, %shift_right_logical3A_135 : vector<128x512xi32>
    %or3A_137 = arith.ori %shift_left3A_133, %shift_right_logical3A_136 : vector<128x512xi32>
    %xor3A_138 = arith.xori %add3A_130, %or3A_137 : vector<128x512xi32>
    %add3A_139 = arith.addi %add3A_130, %xor3A_138 : vector<128x512xi32>
    %shift_left3A_140 = arith.constant 6 : i32
    %shift_left3A_141 = vector.broadcast %shift_left3A_140 : i32 to vector<128x512xi32>
    %shift_left3A_142 = arith.shli %xor3A_138, %shift_left3A_141 : vector<128x512xi32>
    %shift_right_logical3A_143 = arith.constant 26 : i32
    %shift_right_logical3A_144 = vector.broadcast %shift_right_logical3A_143 : i32 to vector<128x512xi32>
    %shift_right_logical3A_145 = arith.shrui %xor3A_138, %shift_right_logical3A_144 : vector<128x512xi32>
    %or3A_146 = arith.ori %shift_left3A_142, %shift_right_logical3A_145 : vector<128x512xi32>
    %xor3A_147 = arith.xori %add3A_139, %or3A_146 : vector<128x512xi32>
    %add3A_148 = arith.constant 0 : i32
    %add3A_149 = vector.broadcast %add3A_148 : i32 to vector<128x512xi32>
    %add3A_150 = arith.addi %add3A_139, %add3A_149 : vector<128x512xi32>
    %add3A_151 = arith.constant 42 : i32
    %add3A_152 = vector.broadcast %add3A_151 : i32 to vector<128x512xi32>
    %add3A_153 = arith.addi %xor3A_147, %add3A_152 : vector<128x512xi32>
    %add3A_154 = arith.constant 3 : i32
    %add3A_155 = vector.broadcast %add3A_154 : i32 to vector<128x512xi32>
    %add3A_156 = arith.addi %add3A_153, %add3A_155 : vector<128x512xi32>
    %add3A_157 = arith.addi %add3A_150, %add3A_156 : vector<128x512xi32>
    %shift_left3A_158 = arith.constant 17 : i32
    %shift_left3A_159 = vector.broadcast %shift_left3A_158 : i32 to vector<128x512xi32>
    %shift_left3A_160 = arith.shli %add3A_156, %shift_left3A_159 : vector<128x512xi32>
    %shift_right_logical3A_161 = arith.constant 15 : i32
    %shift_right_logical3A_162 = vector.broadcast %shift_right_logical3A_161 : i32 to vector<128x512xi32>
    %shift_right_logical3A_163 = arith.shrui %add3A_156, %shift_right_logical3A_162 : vector<128x512xi32>
    %or3A_164 = arith.ori %shift_left3A_160, %shift_right_logical3A_163 : vector<128x512xi32>
    %xor3A_165 = arith.xori %add3A_157, %or3A_164 : vector<128x512xi32>
    %add3A_166 = arith.addi %add3A_157, %xor3A_165 : vector<128x512xi32>
    %shift_left3A_167 = arith.constant 29 : i32
    %shift_left3A_168 = vector.broadcast %shift_left3A_167 : i32 to vector<128x512xi32>
    %shift_left3A_169 = arith.shli %xor3A_165, %shift_left3A_168 : vector<128x512xi32>
    %shift_right_logical3A_170 = arith.constant 3 : i32
    %shift_right_logical3A_171 = vector.broadcast %shift_right_logical3A_170 : i32 to vector<128x512xi32>
    %shift_right_logical3A_172 = arith.shrui %xor3A_165, %shift_right_logical3A_171 : vector<128x512xi32>
    %or3A_173 = arith.ori %shift_left3A_169, %shift_right_logical3A_172 : vector<128x512xi32>
    %xor3A_174 = arith.xori %add3A_166, %or3A_173 : vector<128x512xi32>
    %add3A_175 = arith.addi %add3A_166, %xor3A_174 : vector<128x512xi32>
    %shift_left3A_176 = arith.constant 16 : i32
    %shift_left3A_177 = vector.broadcast %shift_left3A_176 : i32 to vector<128x512xi32>
    %shift_left3A_178 = arith.shli %xor3A_174, %shift_left3A_177 : vector<128x512xi32>
    %shift_right_logical3A_179 = arith.constant 16 : i32
    %shift_right_logical3A_180 = vector.broadcast %shift_right_logical3A_179 : i32 to vector<128x512xi32>
    %shift_right_logical3A_181 = arith.shrui %xor3A_174, %shift_right_logical3A_180 : vector<128x512xi32>
    %or3A_182 = arith.ori %shift_left3A_178, %shift_right_logical3A_181 : vector<128x512xi32>
    %xor3A_183 = arith.xori %add3A_175, %or3A_182 : vector<128x512xi32>
    %add3A_184 = arith.addi %add3A_175, %xor3A_183 : vector<128x512xi32>
    %shift_left3A_185 = arith.constant 24 : i32
    %shift_left3A_186 = vector.broadcast %shift_left3A_185 : i32 to vector<128x512xi32>
    %shift_left3A_187 = arith.shli %xor3A_183, %shift_left3A_186 : vector<128x512xi32>
    %shift_right_logical3A_188 = arith.constant 8 : i32
    %shift_right_logical3A_189 = vector.broadcast %shift_right_logical3A_188 : i32 to vector<128x512xi32>
    %shift_right_logical3A_190 = arith.shrui %xor3A_183, %shift_right_logical3A_189 : vector<128x512xi32>
    %or3A_191 = arith.ori %shift_left3A_187, %shift_right_logical3A_190 : vector<128x512xi32>
    %xor3A_192 = arith.xori %add3A_184, %or3A_191 : vector<128x512xi32>
    %add3A_193 = arith.constant 42 : i32
    %add3A_194 = vector.broadcast %add3A_193 : i32 to vector<128x512xi32>
    %add3A_195 = arith.addi %add3A_184, %add3A_194 : vector<128x512xi32>
    %add3A_196 = arith.constant 466689008 : i32
    %add3A_197 = vector.broadcast %add3A_196 : i32 to vector<128x512xi32>
    %add3A_198 = arith.addi %xor3A_192, %add3A_197 : vector<128x512xi32>
    %add3A_199 = arith.constant 4 : i32
    %add3A_200 = vector.broadcast %add3A_199 : i32 to vector<128x512xi32>
    %add3A_201 = arith.addi %add3A_198, %add3A_200 : vector<128x512xi32>
    %add3A_202 = arith.addi %add3A_195, %add3A_201 : vector<128x512xi32>
    %shift_left3A_203 = arith.constant 13 : i32
    %shift_left3A_204 = vector.broadcast %shift_left3A_203 : i32 to vector<128x512xi32>
    %shift_left3A_205 = arith.shli %add3A_201, %shift_left3A_204 : vector<128x512xi32>
    %shift_right_logical3A_206 = arith.constant 19 : i32
    %shift_right_logical3A_207 = vector.broadcast %shift_right_logical3A_206 : i32 to vector<128x512xi32>
    %shift_right_logical3A_208 = arith.shrui %add3A_201, %shift_right_logical3A_207 : vector<128x512xi32>
    %or3A_209 = arith.ori %shift_left3A_205, %shift_right_logical3A_208 : vector<128x512xi32>
    %xor3A_210 = arith.xori %add3A_202, %or3A_209 : vector<128x512xi32>
    %add3A_211 = arith.addi %add3A_202, %xor3A_210 : vector<128x512xi32>
    %shift_left3A_212 = arith.constant 15 : i32
    %shift_left3A_213 = vector.broadcast %shift_left3A_212 : i32 to vector<128x512xi32>
    %shift_left3A_214 = arith.shli %xor3A_210, %shift_left3A_213 : vector<128x512xi32>
    %shift_right_logical3A_215 = arith.constant 17 : i32
    %shift_right_logical3A_216 = vector.broadcast %shift_right_logical3A_215 : i32 to vector<128x512xi32>
    %shift_right_logical3A_217 = arith.shrui %xor3A_210, %shift_right_logical3A_216 : vector<128x512xi32>
    %or3A_218 = arith.ori %shift_left3A_214, %shift_right_logical3A_217 : vector<128x512xi32>
    %xor3A_219 = arith.xori %add3A_211, %or3A_218 : vector<128x512xi32>
    %add3A_220 = arith.addi %add3A_211, %xor3A_219 : vector<128x512xi32>
    %shift_left3A_221 = arith.constant 26 : i32
    %shift_left3A_222 = vector.broadcast %shift_left3A_221 : i32 to vector<128x512xi32>
    %shift_left3A_223 = arith.shli %xor3A_219, %shift_left3A_222 : vector<128x512xi32>
    %shift_right_logical3A_224 = arith.constant 6 : i32
    %shift_right_logical3A_225 = vector.broadcast %shift_right_logical3A_224 : i32 to vector<128x512xi32>
    %shift_right_logical3A_226 = arith.shrui %xor3A_219, %shift_right_logical3A_225 : vector<128x512xi32>
    %or3A_227 = arith.ori %shift_left3A_223, %shift_right_logical3A_226 : vector<128x512xi32>
    %xor3A_228 = arith.xori %add3A_220, %or3A_227 : vector<128x512xi32>
    %add3A_229 = arith.addi %add3A_220, %xor3A_228 : vector<128x512xi32>
    %shift_left3A_230 = arith.constant 6 : i32
    %shift_left3A_231 = vector.broadcast %shift_left3A_230 : i32 to vector<128x512xi32>
    %shift_left3A_232 = arith.shli %xor3A_228, %shift_left3A_231 : vector<128x512xi32>
    %shift_right_logical3A_233 = arith.constant 26 : i32
    %shift_right_logical3A_234 = vector.broadcast %shift_right_logical3A_233 : i32 to vector<128x512xi32>
    %shift_right_logical3A_235 = arith.shrui %xor3A_228, %shift_right_logical3A_234 : vector<128x512xi32>
    %or3A_236 = arith.ori %shift_left3A_232, %shift_right_logical3A_235 : vector<128x512xi32>
    %xor3A_237 = arith.xori %add3A_229, %or3A_236 : vector<128x512xi32>
    %add3A_238 = arith.constant 466689008 : i32
    %add3A_239 = vector.broadcast %add3A_238 : i32 to vector<128x512xi32>
    %add3A_240 = arith.addi %add3A_229, %add3A_239 : vector<128x512xi32>
    %add3A_241 = arith.constant 0 : i32
    %add3A_242 = vector.broadcast %add3A_241 : i32 to vector<128x512xi32>
    %add3A_243 = arith.addi %xor3A_237, %add3A_242 : vector<128x512xi32>
    %add3A_244 = arith.constant 5 : i32
    %add3A_245 = vector.broadcast %add3A_244 : i32 to vector<128x512xi32>
    %add3A_246 = arith.addi %add3A_243, %add3A_245 : vector<128x512xi32>
    %xor3A_247 = arith.xori %add3A_240, %add3A_246 : vector<128x512xi32>
    %shift_right_logical3A_248 = arith.constant 9 : i32
    %shift_right_logical3A_249 = vector.broadcast %shift_right_logical3A_248 : i32 to vector<128x512xi32>
    %shift_right_logical3A_250 = arith.shrui %xor3A_247, %shift_right_logical3A_249 : vector<128x512xi32>
    %or3A_251 = arith.constant 1065353216 : i32
    %or3A_252 = vector.broadcast %or3A_251 : i32 to vector<128x512xi32>
    %or3A_253 = arith.ori %shift_right_logical3A_250, %or3A_252 : vector<128x512xi32>
    %bitcast_convert_type3A = tpu.bitcast %or3A_253 : vector<128x512xi32> -> vector<128x512xf32>
    %sub3A = arith.constant 1.000000e+00 : f32
    %sub3A_254 = vector.broadcast %sub3A : f32 to vector<128x512xf32>
    %sub3A_255 = arith.subf %bitcast_convert_type3A, %sub3A_254 : vector<128x512xf32>
    %add3A_256 = arith.constant 9.99999968E-21 : f32
    %add3A_257 = vector.broadcast %add3A_256 : f32 to vector<128x512xf32>
    %add3A_258 = arith.addf %sub3A_255, %add3A_257 : vector<128x512xf32>
    %log3A = math.log %add3A_258 : vector<128x512xf32>
    %neg3A = arith.constant 0.000000e+00 : f32
    %neg3A_259 = vector.broadcast %neg3A : f32 to vector<128x512xf32>
    %neg3A_260 = arith.subf %neg3A_259, %log3A : vector<128x512xf32>
    %add3A_261 = arith.constant 9.99999968E-21 : f32
    %add3A_262 = vector.broadcast %add3A_261 : f32 to vector<128x512xf32>
    %add3A_263 = arith.addf %neg3A_260, %add3A_262 : vector<128x512xf32>
    %log3A_264 = math.log %add3A_263 : vector<128x512xf32>
    %neg3A_265 = arith.constant 0.000000e+00 : f32
    %neg3A_266 = vector.broadcast %neg3A_265 : f32 to vector<128x512xf32>
    %neg3A_267 = arith.subf %neg3A_266, %log3A_264 : vector<128x512xf32>
    %add3A_268 = arith.addf %get3A_11, %neg3A_267 : vector<128x512xf32>
    %lt3A = arith.constant 100000 : i32
    %lt3A_269 = vector.broadcast %lt3A : i32 to vector<128x512xi32>
    %lt3A_270 = arith.cmpi slt, %add3A_14, %lt3A_269 : vector<128x512xi32>
    %jit3A = arith.constant 0xFF800000 : f32
    %broadcast_in_dim3A_271 = vector.broadcast %jit3A : f32 to vector<128x512xf32>
    %select_n3A = arith.select %lt3A_270, %add3A_268, %broadcast_in_dim3A_271 : vector<128x512xi1>, vector<128x512xf32>
    %reduce_max3A = arith.constant dense<0xFF800000> : vector<128xf32>
    %reduce_max3A_272 = vector.multi_reduction <maximumf>, %select_n3A, %reduce_max3A [1] : vector<128x512xf32> to vector<128xf32>
    %broadcast_in_dim3A_273 = vector.shape_cast %reduce_max3A_272 : vector<128xf32> to vector<128x1xf32>
    %eq3A = vector.broadcast %broadcast_in_dim3A_273 : vector<128x1xf32> to vector<128x512xf32>
    %eq3A_274 = arith.cmpf oeq, %select_n3A, %eq3A : vector<128x512xf32>
    %jit3A_275 = arith.constant 2147483647 : i32
    %broadcast_in_dim3A_276 = vector.broadcast %jit3A_275 : i32 to vector<128x512xi32>
    %select_n3A_277 = arith.select %eq3A_274, %add3A_14, %broadcast_in_dim3A_276 : vector<128x512xi1>, vector<128x512xi32>
    %reduce_min3A = arith.constant dense<2147483647> : vector<128xi32>
    %reduce_min3A_278 = vector.multi_reduction <minsi>, %select_n3A_277, %reduce_min3A [1] : vector<128x512xi32> to vector<128xi32>
    %broadcast_in_dim3A_279 = vector.shape_cast %reduce_min3A_278 : vector<128xi32> to vector<128x1xi32>
    %get3A_280 = arith.constant 0 : index
    %get3A_281 = arith.constant 512 : index
    %get3A_282 = vector.load %arg1[%get3A_280, %get3A_281] : memref<128x4096xf32, #tpu.memory_space<vmem>>, vector<128x512xf32>
    %add3A_283 = arith.constant 512 : i32
    %add3A_284 = vector.broadcast %add3A_283 : i32 to vector<128x512xi32>
    %add3A_285 = arith.addi %add3A_4, %add3A_284 : vector<128x512xi32>
    %add3A_286 = arith.constant 512 : i32
    %add3A_287 = vector.broadcast %add3A_286 : i32 to vector<128x512xi32>
    %add3A_288 = arith.addi %add3A_9, %add3A_287 : vector<128x512xi32>
    %broadcast_in_dim3A_289 = arith.constant 0 : i32
    %broadcast_in_dim3A_290 = vector.broadcast %broadcast_in_dim3A_289 : i32 to vector<128x512xi32>
    %add3A_291 = arith.constant 0 : i32
    %add3A_292 = vector.broadcast %add3A_291 : i32 to vector<128x512xi32>
    %add3A_293 = arith.addi %broadcast_in_dim3A_290, %add3A_292 : vector<128x512xi32>
    %add3A_294 = arith.constant 42 : i32
    %add3A_295 = vector.broadcast %add3A_294 : i32 to vector<128x512xi32>
    %add3A_296 = arith.addi %add3A_288, %add3A_295 : vector<128x512xi32>
    %add3A_297 = arith.addi %add3A_293, %add3A_296 : vector<128x512xi32>
    %shift_left3A_298 = arith.constant 13 : i32
    %shift_left3A_299 = vector.broadcast %shift_left3A_298 : i32 to vector<128x512xi32>
    %shift_left3A_300 = arith.shli %add3A_296, %shift_left3A_299 : vector<128x512xi32>
    %shift_right_logical3A_301 = arith.constant 19 : i32
    %shift_right_logical3A_302 = vector.broadcast %shift_right_logical3A_301 : i32 to vector<128x512xi32>
    %shift_right_logical3A_303 = arith.shrui %add3A_296, %shift_right_logical3A_302 : vector<128x512xi32>
    %or3A_304 = arith.ori %shift_left3A_300, %shift_right_logical3A_303 : vector<128x512xi32>
    %xor3A_305 = arith.xori %add3A_297, %or3A_304 : vector<128x512xi32>
    %add3A_306 = arith.addi %add3A_297, %xor3A_305 : vector<128x512xi32>
    %shift_left3A_307 = arith.constant 15 : i32
    %shift_left3A_308 = vector.broadcast %shift_left3A_307 : i32 to vector<128x512xi32>
    %shift_left3A_309 = arith.shli %xor3A_305, %shift_left3A_308 : vector<128x512xi32>
    %shift_right_logical3A_310 = arith.constant 17 : i32
    %shift_right_logical3A_311 = vector.broadcast %shift_right_logical3A_310 : i32 to vector<128x512xi32>
    %shift_right_logical3A_312 = arith.shrui %xor3A_305, %shift_right_logical3A_311 : vector<128x512xi32>
    %or3A_313 = arith.ori %shift_left3A_309, %shift_right_logical3A_312 : vector<128x512xi32>
    %xor3A_314 = arith.xori %add3A_306, %or3A_313 : vector<128x512xi32>
    %add3A_315 = arith.addi %add3A_306, %xor3A_314 : vector<128x512xi32>
    %shift_left3A_316 = arith.constant 26 : i32
    %shift_left3A_317 = vector.broadcast %shift_left3A_316 : i32 to vector<128x512xi32>
    %shift_left3A_318 = arith.shli %xor3A_314, %shift_left3A_317 : vector<128x512xi32>
    %shift_right_logical3A_319 = arith.constant 6 : i32
    %shift_right_logical3A_320 = vector.broadcast %shift_right_logical3A_319 : i32 to vector<128x512xi32>
    %shift_right_logical3A_321 = arith.shrui %xor3A_314, %shift_right_logical3A_320 : vector<128x512xi32>
    %or3A_322 = arith.ori %shift_left3A_318, %shift_right_logical3A_321 : vector<128x512xi32>
    %xor3A_323 = arith.xori %add3A_315, %or3A_322 : vector<128x512xi32>
    %add3A_324 = arith.addi %add3A_315, %xor3A_323 : vector<128x512xi32>
    %shift_left3A_325 = arith.constant 6 : i32
    %shift_left3A_326 = vector.broadcast %shift_left3A_325 : i32 to vector<128x512xi32>
    %shift_left3A_327 = arith.shli %xor3A_323, %shift_left3A_326 : vector<128x512xi32>
    %shift_right_logical3A_328 = arith.constant 26 : i32
    %shift_right_logical3A_329 = vector.broadcast %shift_right_logical3A_328 : i32 to vector<128x512xi32>
    %shift_right_logical3A_330 = arith.shrui %xor3A_323, %shift_right_logical3A_329 : vector<128x512xi32>
    %or3A_331 = arith.ori %shift_left3A_327, %shift_right_logical3A_330 : vector<128x512xi32>
    %xor3A_332 = arith.xori %add3A_324, %or3A_331 : vector<128x512xi32>
    %add3A_333 = arith.constant 42 : i32
    %add3A_334 = vector.broadcast %add3A_333 : i32 to vector<128x512xi32>
    %add3A_335 = arith.addi %add3A_324, %add3A_334 : vector<128x512xi32>
    %add3A_336 = arith.constant 466689008 : i32
    %add3A_337 = vector.broadcast %add3A_336 : i32 to vector<128x512xi32>
    %add3A_338 = arith.addi %xor3A_332, %add3A_337 : vector<128x512xi32>
    %add3A_339 = arith.constant 1 : i32
    %add3A_340 = vector.broadcast %add3A_339 : i32 to vector<128x512xi32>
    %add3A_341 = arith.addi %add3A_338, %add3A_340 : vector<128x512xi32>
    %add3A_342 = arith.addi %add3A_335, %add3A_341 : vector<128x512xi32>
    %shift_left3A_343 = arith.constant 17 : i32
    %shift_left3A_344 = vector.broadcast %shift_left3A_343 : i32 to vector<128x512xi32>
    %shift_left3A_345 = arith.shli %add3A_341, %shift_left3A_344 : vector<128x512xi32>
    %shift_right_logical3A_346 = arith.constant 15 : i32
    %shift_right_logical3A_347 = vector.broadcast %shift_right_logical3A_346 : i32 to vector<128x512xi32>
    %shift_right_logical3A_348 = arith.shrui %add3A_341, %shift_right_logical3A_347 : vector<128x512xi32>
    %or3A_349 = arith.ori %shift_left3A_345, %shift_right_logical3A_348 : vector<128x512xi32>
    %xor3A_350 = arith.xori %add3A_342, %or3A_349 : vector<128x512xi32>
    %add3A_351 = arith.addi %add3A_342, %xor3A_350 : vector<128x512xi32>
    %shift_left3A_352 = arith.constant 29 : i32
    %shift_left3A_353 = vector.broadcast %shift_left3A_352 : i32 to vector<128x512xi32>
    %shift_left3A_354 = arith.shli %xor3A_350, %shift_left3A_353 : vector<128x512xi32>
    %shift_right_logical3A_355 = arith.constant 3 : i32
    %shift_right_logical3A_356 = vector.broadcast %shift_right_logical3A_355 : i32 to vector<128x512xi32>
    %shift_right_logical3A_357 = arith.shrui %xor3A_350, %shift_right_logical3A_356 : vector<128x512xi32>
    %or3A_358 = arith.ori %shift_left3A_354, %shift_right_logical3A_357 : vector<128x512xi32>
    %xor3A_359 = arith.xori %add3A_351, %or3A_358 : vector<128x512xi32>
    %add3A_360 = arith.addi %add3A_351, %xor3A_359 : vector<128x512xi32>
    %shift_left3A_361 = arith.constant 16 : i32
    %shift_left3A_362 = vector.broadcast %shift_left3A_361 : i32 to vector<128x512xi32>
    %shift_left3A_363 = arith.shli %xor3A_359, %shift_left3A_362 : vector<128x512xi32>
    %shift_right_logical3A_364 = arith.constant 16 : i32
    %shift_right_logical3A_365 = vector.broadcast %shift_right_logical3A_364 : i32 to vector<128x512xi32>
    %shift_right_logical3A_366 = arith.shrui %xor3A_359, %shift_right_logical3A_365 : vector<128x512xi32>
    %or3A_367 = arith.ori %shift_left3A_363, %shift_right_logical3A_366 : vector<128x512xi32>
    %xor3A_368 = arith.xori %add3A_360, %or3A_367 : vector<128x512xi32>
    %add3A_369 = arith.addi %add3A_360, %xor3A_368 : vector<128x512xi32>
    %shift_left3A_370 = arith.constant 24 : i32
    %shift_left3A_371 = vector.broadcast %shift_left3A_370 : i32 to vector<128x512xi32>
    %shift_left3A_372 = arith.shli %xor3A_368, %shift_left3A_371 : vector<128x512xi32>
    %shift_right_logical3A_373 = arith.constant 8 : i32
    %shift_right_logical3A_374 = vector.broadcast %shift_right_logical3A_373 : i32 to vector<128x512xi32>
    %shift_right_logical3A_375 = arith.shrui %xor3A_368, %shift_right_logical3A_374 : vector<128x512xi32>
    %or3A_376 = arith.ori %shift_left3A_372, %shift_right_logical3A_375 : vector<128x512xi32>
    %xor3A_377 = arith.xori %add3A_369, %or3A_376 : vector<128x512xi32>
    %add3A_378 = arith.constant 466689008 : i32
    %add3A_379 = vector.broadcast %add3A_378 : i32 to vector<128x512xi32>
    %add3A_380 = arith.addi %add3A_369, %add3A_379 : vector<128x512xi32>
    %add3A_381 = arith.constant 0 : i32
    %add3A_382 = vector.broadcast %add3A_381 : i32 to vector<128x512xi32>
    %add3A_383 = arith.addi %xor3A_377, %add3A_382 : vector<128x512xi32>
    %add3A_384 = arith.constant 2 : i32
    %add3A_385 = vector.broadcast %add3A_384 : i32 to vector<128x512xi32>
    %add3A_386 = arith.addi %add3A_383, %add3A_385 : vector<128x512xi32>
    %add3A_387 = arith.addi %add3A_380, %add3A_386 : vector<128x512xi32>
    %shift_left3A_388 = arith.constant 13 : i32
    %shift_left3A_389 = vector.broadcast %shift_left3A_388 : i32 to vector<128x512xi32>
    %shift_left3A_390 = arith.shli %add3A_386, %shift_left3A_389 : vector<128x512xi32>
    %shift_right_logical3A_391 = arith.constant 19 : i32
    %shift_right_logical3A_392 = vector.broadcast %shift_right_logical3A_391 : i32 to vector<128x512xi32>
    %shift_right_logical3A_393 = arith.shrui %add3A_386, %shift_right_logical3A_392 : vector<128x512xi32>
    %or3A_394 = arith.ori %shift_left3A_390, %shift_right_logical3A_393 : vector<128x512xi32>
    %xor3A_395 = arith.xori %add3A_387, %or3A_394 : vector<128x512xi32>
    %add3A_396 = arith.addi %add3A_387, %xor3A_395 : vector<128x512xi32>
    %shift_left3A_397 = arith.constant 15 : i32
    %shift_left3A_398 = vector.broadcast %shift_left3A_397 : i32 to vector<128x512xi32>
    %shift_left3A_399 = arith.shli %xor3A_395, %shift_left3A_398 : vector<128x512xi32>
    %shift_right_logical3A_400 = arith.constant 17 : i32
    %shift_right_logical3A_401 = vector.broadcast %shift_right_logical3A_400 : i32 to vector<128x512xi32>
    %shift_right_logical3A_402 = arith.shrui %xor3A_395, %shift_right_logical3A_401 : vector<128x512xi32>
    %or3A_403 = arith.ori %shift_left3A_399, %shift_right_logical3A_402 : vector<128x512xi32>
    %xor3A_404 = arith.xori %add3A_396, %or3A_403 : vector<128x512xi32>
    %add3A_405 = arith.addi %add3A_396, %xor3A_404 : vector<128x512xi32>
    %shift_left3A_406 = arith.constant 26 : i32
    %shift_left3A_407 = vector.broadcast %shift_left3A_406 : i32 to vector<128x512xi32>
    %shift_left3A_408 = arith.shli %xor3A_404, %shift_left3A_407 : vector<128x512xi32>
    %shift_right_logical3A_409 = arith.constant 6 : i32
    %shift_right_logical3A_410 = vector.broadcast %shift_right_logical3A_409 : i32 to vector<128x512xi32>
    %shift_right_logical3A_411 = arith.shrui %xor3A_404, %shift_right_logical3A_410 : vector<128x512xi32>
    %or3A_412 = arith.ori %shift_left3A_408, %shift_right_logical3A_411 : vector<128x512xi32>
    %xor3A_413 = arith.xori %add3A_405, %or3A_412 : vector<128x512xi32>
    %add3A_414 = arith.addi %add3A_405, %xor3A_413 : vector<128x512xi32>
    %shift_left3A_415 = arith.constant 6 : i32
    %shift_left3A_416 = vector.broadcast %shift_left3A_415 : i32 to vector<128x512xi32>
    %shift_left3A_417 = arith.shli %xor3A_413, %shift_left3A_416 : vector<128x512xi32>
    %shift_right_logical3A_418 = arith.constant 26 : i32
    %shift_right_logical3A_419 = vector.broadcast %shift_right_logical3A_418 : i32 to vector<128x512xi32>
    %shift_right_logical3A_420 = arith.shrui %xor3A_413, %shift_right_logical3A_419 : vector<128x512xi32>
    %or3A_421 = arith.ori %shift_left3A_417, %shift_right_logical3A_420 : vector<128x512xi32>
    %xor3A_422 = arith.xori %add3A_414, %or3A_421 : vector<128x512xi32>
    %add3A_423 = arith.constant 0 : i32
    %add3A_424 = vector.broadcast %add3A_423 : i32 to vector<128x512xi32>
    %add3A_425 = arith.addi %add3A_414, %add3A_424 : vector<128x512xi32>
    %add3A_426 = arith.constant 42 : i32
    %add3A_427 = vector.broadcast %add3A_426 : i32 to vector<128x512xi32>
    %add3A_428 = arith.addi %xor3A_422, %add3A_427 : vector<128x512xi32>
    %add3A_429 = arith.constant 3 : i32
    %add3A_430 = vector.broadcast %add3A_429 : i32 to vector<128x512xi32>
    %add3A_431 = arith.addi %add3A_428, %add3A_430 : vector<128x512xi32>
    %add3A_432 = arith.addi %add3A_425, %add3A_431 : vector<128x512xi32>
    %shift_left3A_433 = arith.constant 17 : i32
    %shift_left3A_434 = vector.broadcast %shift_left3A_433 : i32 to vector<128x512xi32>
    %shift_left3A_435 = arith.shli %add3A_431, %shift_left3A_434 : vector<128x512xi32>
    %shift_right_logical3A_436 = arith.constant 15 : i32
    %shift_right_logical3A_437 = vector.broadcast %shift_right_logical3A_436 : i32 to vector<128x512xi32>
    %shift_right_logical3A_438 = arith.shrui %add3A_431, %shift_right_logical3A_437 : vector<128x512xi32>
    %or3A_439 = arith.ori %shift_left3A_435, %shift_right_logical3A_438 : vector<128x512xi32>
    %xor3A_440 = arith.xori %add3A_432, %or3A_439 : vector<128x512xi32>
    %add3A_441 = arith.addi %add3A_432, %xor3A_440 : vector<128x512xi32>
    %shift_left3A_442 = arith.constant 29 : i32
    %shift_left3A_443 = vector.broadcast %shift_left3A_442 : i32 to vector<128x512xi32>
    %shift_left3A_444 = arith.shli %xor3A_440, %shift_left3A_443 : vector<128x512xi32>
    %shift_right_logical3A_445 = arith.constant 3 : i32
    %shift_right_logical3A_446 = vector.broadcast %shift_right_logical3A_445 : i32 to vector<128x512xi32>
    %shift_right_logical3A_447 = arith.shrui %xor3A_440, %shift_right_logical3A_446 : vector<128x512xi32>
    %or3A_448 = arith.ori %shift_left3A_444, %shift_right_logical3A_447 : vector<128x512xi32>
    %xor3A_449 = arith.xori %add3A_441, %or3A_448 : vector<128x512xi32>
    %add3A_450 = arith.addi %add3A_441, %xor3A_449 : vector<128x512xi32>
    %shift_left3A_451 = arith.constant 16 : i32
    %shift_left3A_452 = vector.broadcast %shift_left3A_451 : i32 to vector<128x512xi32>
    %shift_left3A_453 = arith.shli %xor3A_449, %shift_left3A_452 : vector<128x512xi32>
    %shift_right_logical3A_454 = arith.constant 16 : i32
    %shift_right_logical3A_455 = vector.broadcast %shift_right_logical3A_454 : i32 to vector<128x512xi32>
    %shift_right_logical3A_456 = arith.shrui %xor3A_449, %shift_right_logical3A_455 : vector<128x512xi32>
    %or3A_457 = arith.ori %shift_left3A_453, %shift_right_logical3A_456 : vector<128x512xi32>
    %xor3A_458 = arith.xori %add3A_450, %or3A_457 : vector<128x512xi32>
    %add3A_459 = arith.addi %add3A_450, %xor3A_458 : vector<128x512xi32>
    %shift_left3A_460 = arith.constant 24 : i32
    %shift_left3A_461 = vector.broadcast %shift_left3A_460 : i32 to vector<128x512xi32>
    %shift_left3A_462 = arith.shli %xor3A_458, %shift_left3A_461 : vector<128x512xi32>
    %shift_right_logical3A_463 = arith.constant 8 : i32
    %shift_right_logical3A_464 = vector.broadcast %shift_right_logical3A_463 : i32 to vector<128x512xi32>
    %shift_right_logical3A_465 = arith.shrui %xor3A_458, %shift_right_logical3A_464 : vector<128x512xi32>
    %or3A_466 = arith.ori %shift_left3A_462, %shift_right_logical3A_465 : vector<128x512xi32>
    %xor3A_467 = arith.xori %add3A_459, %or3A_466 : vector<128x512xi32>
    %add3A_468 = arith.constant 42 : i32
    %add3A_469 = vector.broadcast %add3A_468 : i32 to vector<128x512xi32>
    %add3A_470 = arith.addi %add3A_459, %add3A_469 : vector<128x512xi32>
    %add3A_471 = arith.constant 466689008 : i32
    %add3A_472 = vector.broadcast %add3A_471 : i32 to vector<128x512xi32>
    %add3A_473 = arith.addi %xor3A_467, %add3A_472 : vector<128x512xi32>
    %add3A_474 = arith.constant 4 : i32
    %add3A_475 = vector.broadcast %add3A_474 : i32 to vector<128x512xi32>
    %add3A_476 = arith.addi %add3A_473, %add3A_475 : vector<128x512xi32>
    %add3A_477 = arith.addi %add3A_470, %add3A_476 : vector<128x512xi32>
    %shift_left3A_478 = arith.constant 13 : i32
    %shift_left3A_479 = vector.broadcast %shift_left3A_478 : i32 to vector<128x512xi32>
    %shift_left3A_480 = arith.shli %add3A_476, %shift_left3A_479 : vector<128x512xi32>
    %shift_right_logical3A_481 = arith.constant 19 : i32
    %shift_right_logical3A_482 = vector.broadcast %shift_right_logical3A_481 : i32 to vector<128x512xi32>
    %shift_right_logical3A_483 = arith.shrui %add3A_476, %shift_right_logical3A_482 : vector<128x512xi32>
    %or3A_484 = arith.ori %shift_left3A_480, %shift_right_logical3A_483 : vector<128x512xi32>
    %xor3A_485 = arith.xori %add3A_477, %or3A_484 : vector<128x512xi32>
    %add3A_486 = arith.addi %add3A_477, %xor3A_485 : vector<128x512xi32>
    %shift_left3A_487 = arith.constant 15 : i32
    %shift_left3A_488 = vector.broadcast %shift_left3A_487 : i32 to vector<128x512xi32>
    %shift_left3A_489 = arith.shli %xor3A_485, %shift_left3A_488 : vector<128x512xi32>
    %shift_right_logical3A_490 = arith.constant 17 : i32
    %shift_right_logical3A_491 = vector.broadcast %shift_right_logical3A_490 : i32 to vector<128x512xi32>
    %shift_right_logical3A_492 = arith.shrui %xor3A_485, %shift_right_logical3A_491 : vector<128x512xi32>
    %or3A_493 = arith.ori %shift_left3A_489, %shift_right_logical3A_492 : vector<128x512xi32>
    %xor3A_494 = arith.xori %add3A_486, %or3A_493 : vector<128x512xi32>
    %add3A_495 = arith.addi %add3A_486, %xor3A_494 : vector<128x512xi32>
    %shift_left3A_496 = arith.constant 26 : i32
    %shift_left3A_497 = vector.broadcast %shift_left3A_496 : i32 to vector<128x512xi32>
    %shift_left3A_498 = arith.shli %xor3A_494, %shift_left3A_497 : vector<128x512xi32>
    %shift_right_logical3A_499 = arith.constant 6 : i32
    %shift_right_logical3A_500 = vector.broadcast %shift_right_logical3A_499 : i32 to vector<128x512xi32>
    %shift_right_logical3A_501 = arith.shrui %xor3A_494, %shift_right_logical3A_500 : vector<128x512xi32>
    %or3A_502 = arith.ori %shift_left3A_498, %shift_right_logical3A_501 : vector<128x512xi32>
    %xor3A_503 = arith.xori %add3A_495, %or3A_502 : vector<128x512xi32>
    %add3A_504 = arith.addi %add3A_495, %xor3A_503 : vector<128x512xi32>
    %shift_left3A_505 = arith.constant 6 : i32
    %shift_left3A_506 = vector.broadcast %shift_left3A_505 : i32 to vector<128x512xi32>
    %shift_left3A_507 = arith.shli %xor3A_503, %shift_left3A_506 : vector<128x512xi32>
    %shift_right_logical3A_508 = arith.constant 26 : i32
    %shift_right_logical3A_509 = vector.broadcast %shift_right_logical3A_508 : i32 to vector<128x512xi32>
    %shift_right_logical3A_510 = arith.shrui %xor3A_503, %shift_right_logical3A_509 : vector<128x512xi32>
    %or3A_511 = arith.ori %shift_left3A_507, %shift_right_logical3A_510 : vector<128x512xi32>
    %xor3A_512 = arith.xori %add3A_504, %or3A_511 : vector<128x512xi32>
    %add3A_513 = arith.constant 466689008 : i32
    %add3A_514 = vector.broadcast %add3A_513 : i32 to vector<128x512xi32>
    %add3A_515 = arith.addi %add3A_504, %add3A_514 : vector<128x512xi32>
    %add3A_516 = arith.constant 0 : i32
    %add3A_517 = vector.broadcast %add3A_516 : i32 to vector<128x512xi32>
    %add3A_518 = arith.addi %xor3A_512, %add3A_517 : vector<128x512xi32>
    %add3A_519 = arith.constant 5 : i32
    %add3A_520 = vector.broadcast %add3A_519 : i32 to vector<128x512xi32>
    %add3A_521 = arith.addi %add3A_518, %add3A_520 : vector<128x512xi32>
    %xor3A_522 = arith.xori %add3A_515, %add3A_521 : vector<128x512xi32>
    %shift_right_logical3A_523 = arith.constant 9 : i32
    %shift_right_logical3A_524 = vector.broadcast %shift_right_logical3A_523 : i32 to vector<128x512xi32>
    %shift_right_logical3A_525 = arith.shrui %xor3A_522, %shift_right_logical3A_524 : vector<128x512xi32>
    %or3A_526 = arith.constant 1065353216 : i32
    %or3A_527 = vector.broadcast %or3A_526 : i32 to vector<128x512xi32>
    %or3A_528 = arith.ori %shift_right_logical3A_525, %or3A_527 : vector<128x512xi32>
    %bitcast_convert_type3A_529 = tpu.bitcast %or3A_528 : vector<128x512xi32> -> vector<128x512xf32>
    %sub3A_530 = arith.constant 1.000000e+00 : f32
    %sub3A_531 = vector.broadcast %sub3A_530 : f32 to vector<128x512xf32>
    %sub3A_532 = arith.subf %bitcast_convert_type3A_529, %sub3A_531 : vector<128x512xf32>
    %add3A_533 = arith.constant 9.99999968E-21 : f32
    %add3A_534 = vector.broadcast %add3A_533 : f32 to vector<128x512xf32>
    %add3A_535 = arith.addf %sub3A_532, %add3A_534 : vector<128x512xf32>
    %log3A_536 = math.log %add3A_535 : vector<128x512xf32>
    %neg3A_537 = arith.constant 0.000000e+00 : f32
    %neg3A_538 = vector.broadcast %neg3A_537 : f32 to vector<128x512xf32>
    %neg3A_539 = arith.subf %neg3A_538, %log3A_536 : vector<128x512xf32>
    %add3A_540 = arith.constant 9.99999968E-21 : f32
    %add3A_541 = vector.broadcast %add3A_540 : f32 to vector<128x512xf32>
    %add3A_542 = arith.addf %neg3A_539, %add3A_541 : vector<128x512xf32>
    %log3A_543 = math.log %add3A_542 : vector<128x512xf32>
    %neg3A_544 = arith.constant 0.000000e+00 : f32
    %neg3A_545 = vector.broadcast %neg3A_544 : f32 to vector<128x512xf32>
    %neg3A_546 = arith.subf %neg3A_545, %log3A_543 : vector<128x512xf32>
    %add3A_547 = arith.addf %get3A_282, %neg3A_546 : vector<128x512xf32>
    %lt3A_548 = arith.constant 100000 : i32
    %lt3A_549 = vector.broadcast %lt3A_548 : i32 to vector<128x512xi32>
    %lt3A_550 = arith.cmpi slt, %add3A_285, %lt3A_549 : vector<128x512xi32>
    %jit3A_551 = arith.constant 0xFF800000 : f32
    %broadcast_in_dim3A_552 = vector.broadcast %jit3A_551 : f32 to vector<128x512xf32>
    %select_n3A_553 = arith.select %lt3A_550, %add3A_547, %broadcast_in_dim3A_552 : vector<128x512xi1>, vector<128x512xf32>
    %reduce_max3A_554 = arith.constant dense<0xFF800000> : vector<128xf32>
    %reduce_max3A_555 = vector.multi_reduction <maximumf>, %select_n3A_553, %reduce_max3A_554 [1] : vector<128x512xf32> to vector<128xf32>
    %broadcast_in_dim3A_556 = vector.shape_cast %reduce_max3A_555 : vector<128xf32> to vector<128x1xf32>
    %eq3A_557 = vector.broadcast %broadcast_in_dim3A_556 : vector<128x1xf32> to vector<128x512xf32>
    %eq3A_558 = arith.cmpf oeq, %select_n3A_553, %eq3A_557 : vector<128x512xf32>
    %jit3A_559 = arith.constant 2147483647 : i32
    %broadcast_in_dim3A_560 = vector.broadcast %jit3A_559 : i32 to vector<128x512xi32>
    %select_n3A_561 = arith.select %eq3A_558, %add3A_285, %broadcast_in_dim3A_560 : vector<128x512xi1>, vector<128x512xi32>
    %reduce_min3A_562 = arith.constant dense<2147483647> : vector<128xi32>
    %reduce_min3A_563 = vector.multi_reduction <minsi>, %select_n3A_561, %reduce_min3A_562 [1] : vector<128x512xi32> to vector<128xi32>
    %broadcast_in_dim3A_564 = vector.shape_cast %reduce_min3A_563 : vector<128xi32> to vector<128x1xi32>
    %gt3A = arith.cmpf ogt, %broadcast_in_dim3A_556, %broadcast_in_dim3A_273 : vector<128x1xf32>
    %select_n3A_565 = arith.select %gt3A, %broadcast_in_dim3A_556, %broadcast_in_dim3A_273 : vector<128x1xi1>, vector<128x1xf32>
    %select_n3A_566 = arith.select %gt3A, %broadcast_in_dim3A_564, %broadcast_in_dim3A_279 : vector<128x1xi1>, vector<128x1xi32>
    %get3A_567 = arith.constant 0 : index
    %get3A_568 = arith.constant 1024 : index
    %get3A_569 = vector.load %arg1[%get3A_567, %get3A_568] : memref<128x4096xf32, #tpu.memory_space<vmem>>, vector<128x512xf32>
    %add3A_570 = arith.constant 1024 : i32
    %add3A_571 = vector.broadcast %add3A_570 : i32 to vector<128x512xi32>
    %add3A_572 = arith.addi %add3A_4, %add3A_571 : vector<128x512xi32>
    %add3A_573 = arith.constant 1024 : i32
    %add3A_574 = vector.broadcast %add3A_573 : i32 to vector<128x512xi32>
    %add3A_575 = arith.addi %add3A_9, %add3A_574 : vector<128x512xi32>
    %broadcast_in_dim3A_576 = arith.constant 0 : i32
    %broadcast_in_dim3A_577 = vector.broadcast %broadcast_in_dim3A_576 : i32 to vector<128x512xi32>
    %add3A_578 = arith.constant 0 : i32
    %add3A_579 = vector.broadcast %add3A_578 : i32 to vector<128x512xi32>
    %add3A_580 = arith.addi %broadcast_in_dim3A_577, %add3A_579 : vector<128x512xi32>
    %add3A_581 = arith.constant 42 : i32
    %add3A_582 = vector.broadcast %add3A_581 : i32 to vector<128x512xi32>
    %add3A_583 = arith.addi %add3A_575, %add3A_582 : vector<128x512xi32>
    %add3A_584 = arith.addi %add3A_580, %add3A_583 : vector<128x512xi32>
    %shift_left3A_585 = arith.constant 13 : i32
    %shift_left3A_586 = vector.broadcast %shift_left3A_585 : i32 to vector<128x512xi32>
    %shift_left3A_587 = arith.shli %add3A_583, %shift_left3A_586 : vector<128x512xi32>
    %shift_right_logical3A_588 = arith.constant 19 : i32
    %shift_right_logical3A_589 = vector.broadcast %shift_right_logical3A_588 : i32 to vector<128x512xi32>
    %shift_right_logical3A_590 = arith.shrui %add3A_583, %shift_right_logical3A_589 : vector<128x512xi32>
    %or3A_591 = arith.ori %shift_left3A_587, %shift_right_logical3A_590 : vector<128x512xi32>
    %xor3A_592 = arith.xori %add3A_584, %or3A_591 : vector<128x512xi32>
    %add3A_593 = arith.addi %add3A_584, %xor3A_592 : vector<128x512xi32>
    %shift_left3A_594 = arith.constant 15 : i32
    %shift_left3A_595 = vector.broadcast %shift_left3A_594 : i32 to vector<128x512xi32>
    %shift_left3A_596 = arith.shli %xor3A_592, %shift_left3A_595 : vector<128x512xi32>
    %shift_right_logical3A_597 = arith.constant 17 : i32
    %shift_right_logical3A_598 = vector.broadcast %shift_right_logical3A_597 : i32 to vector<128x512xi32>
    %shift_right_logical3A_599 = arith.shrui %xor3A_592, %shift_right_logical3A_598 : vector<128x512xi32>
    %or3A_600 = arith.ori %shift_left3A_596, %shift_right_logical3A_599 : vector<128x512xi32>
    %xor3A_601 = arith.xori %add3A_593, %or3A_600 : vector<128x512xi32>
    %add3A_602 = arith.addi %add3A_593, %xor3A_601 : vector<128x512xi32>
    %shift_left3A_603 = arith.constant 26 : i32
    %shift_left3A_604 = vector.broadcast %shift_left3A_603 : i32 to vector<128x512xi32>
    %shift_left3A_605 = arith.shli %xor3A_601, %shift_left3A_604 : vector<128x512xi32>
    %shift_right_logical3A_606 = arith.constant 6 : i32
    %shift_right_logical3A_607 = vector.broadcast %shift_right_logical3A_606 : i32 to vector<128x512xi32>
    %shift_right_logical3A_608 = arith.shrui %xor3A_601, %shift_right_logical3A_607 : vector<128x512xi32>
    %or3A_609 = arith.ori %shift_left3A_605, %shift_right_logical3A_608 : vector<128x512xi32>
    %xor3A_610 = arith.xori %add3A_602, %or3A_609 : vector<128x512xi32>
    %add3A_611 = arith.addi %add3A_602, %xor3A_610 : vector<128x512xi32>
    %shift_left3A_612 = arith.constant 6 : i32
    %shift_left3A_613 = vector.broadcast %shift_left3A_612 : i32 to vector<128x512xi32>
    %shift_left3A_614 = arith.shli %xor3A_610, %shift_left3A_613 : vector<128x512xi32>
    %shift_right_logical3A_615 = arith.constant 26 : i32
    %shift_right_logical3A_616 = vector.broadcast %shift_right_logical3A_615 : i32 to vector<128x512xi32>
    %shift_right_logical3A_617 = arith.shrui %xor3A_610, %shift_right_logical3A_616 : vector<128x512xi32>
    %or3A_618 = arith.ori %shift_left3A_614, %shift_right_logical3A_617 : vector<128x512xi32>
    %xor3A_619 = arith.xori %add3A_611, %or3A_618 : vector<128x512xi32>
    %add3A_620 = arith.constant 42 : i32
    %add3A_621 = vector.broadcast %add3A_620 : i32 to vector<128x512xi32>
    %add3A_622 = arith.addi %add3A_611, %add3A_621 : vector<128x512xi32>
    %add3A_623 = arith.constant 466689008 : i32
    %add3A_624 = vector.broadcast %add3A_623 : i32 to vector<128x512xi32>
    %add3A_625 = arith.addi %xor3A_619, %add3A_624 : vector<128x512xi32>
    %add3A_626 = arith.constant 1 : i32
    %add3A_627 = vector.broadcast %add3A_626 : i32 to vector<128x512xi32>
    %add3A_628 = arith.addi %add3A_625, %add3A_627 : vector<128x512xi32>
    %add3A_629 = arith.addi %add3A_622, %add3A_628 : vector<128x512xi32>
    %shift_left3A_630 = arith.constant 17 : i32
    %shift_left3A_631 = vector.broadcast %shift_left3A_630 : i32 to vector<128x512xi32>
    %shift_left3A_632 = arith.shli %add3A_628, %shift_left3A_631 : vector<128x512xi32>
    %shift_right_logical3A_633 = arith.constant 15 : i32
    %shift_right_logical3A_634 = vector.broadcast %shift_right_logical3A_633 : i32 to vector<128x512xi32>
    %shift_right_logical3A_635 = arith.shrui %add3A_628, %shift_right_logical3A_634 : vector<128x512xi32>
    %or3A_636 = arith.ori %shift_left3A_632, %shift_right_logical3A_635 : vector<128x512xi32>
    %xor3A_637 = arith.xori %add3A_629, %or3A_636 : vector<128x512xi32>
    %add3A_638 = arith.addi %add3A_629, %xor3A_637 : vector<128x512xi32>
    %shift_left3A_639 = arith.constant 29 : i32
    %shift_left3A_640 = vector.broadcast %shift_left3A_639 : i32 to vector<128x512xi32>
    %shift_left3A_641 = arith.shli %xor3A_637, %shift_left3A_640 : vector<128x512xi32>
    %shift_right_logical3A_642 = arith.constant 3 : i32
    %shift_right_logical3A_643 = vector.broadcast %shift_right_logical3A_642 : i32 to vector<128x512xi32>
    %shift_right_logical3A_644 = arith.shrui %xor3A_637, %shift_right_logical3A_643 : vector<128x512xi32>
    %or3A_645 = arith.ori %shift_left3A_641, %shift_right_logical3A_644 : vector<128x512xi32>
    %xor3A_646 = arith.xori %add3A_638, %or3A_645 : vector<128x512xi32>
    %add3A_647 = arith.addi %add3A_638, %xor3A_646 : vector<128x512xi32>
    %shift_left3A_648 = arith.constant 16 : i32
    %shift_left3A_649 = vector.broadcast %shift_left3A_648 : i32 to vector<128x512xi32>
    %shift_left3A_650 = arith.shli %xor3A_646, %shift_left3A_649 : vector<128x512xi32>
    %shift_right_logical3A_651 = arith.constant 16 : i32
    %shift_right_logical3A_652 = vector.broadcast %shift_right_logical3A_651 : i32 to vector<128x512xi32>
    %shift_right_logical3A_653 = arith.shrui %xor3A_646, %shift_right_logical3A_652 : vector<128x512xi32>
    %or3A_654 = arith.ori %shift_left3A_650, %shift_right_logical3A_653 : vector<128x512xi32>
    %xor3A_655 = arith.xori %add3A_647, %or3A_654 : vector<128x512xi32>
    %add3A_656 = arith.addi %add3A_647, %xor3A_655 : vector<128x512xi32>
    %shift_left3A_657 = arith.constant 24 : i32
    %shift_left3A_658 = vector.broadcast %shift_left3A_657 : i32 to vector<128x512xi32>
    %shift_left3A_659 = arith.shli %xor3A_655, %shift_left3A_658 : vector<128x512xi32>
    %shift_right_logical3A_660 = arith.constant 8 : i32
    %shift_right_logical3A_661 = vector.broadcast %shift_right_logical3A_660 : i32 to vector<128x512xi32>
    %shift_right_logical3A_662 = arith.shrui %xor3A_655, %shift_right_logical3A_661 : vector<128x512xi32>
    %or3A_663 = arith.ori %shift_left3A_659, %shift_right_logical3A_662 : vector<128x512xi32>
    %xor3A_664 = arith.xori %add3A_656, %or3A_663 : vector<128x512xi32>
    %add3A_665 = arith.constant 466689008 : i32
    %add3A_666 = vector.broadcast %add3A_665 : i32 to vector<128x512xi32>
    %add3A_667 = arith.addi %add3A_656, %add3A_666 : vector<128x512xi32>
    %add3A_668 = arith.constant 0 : i32
    %add3A_669 = vector.broadcast %add3A_668 : i32 to vector<128x512xi32>
    %add3A_670 = arith.addi %xor3A_664, %add3A_669 : vector<128x512xi32>
    %add3A_671 = arith.constant 2 : i32
    %add3A_672 = vector.broadcast %add3A_671 : i32 to vector<128x512xi32>
    %add3A_673 = arith.addi %add3A_670, %add3A_672 : vector<128x512xi32>
    %add3A_674 = arith.addi %add3A_667, %add3A_673 : vector<128x512xi32>
    %shift_left3A_675 = arith.constant 13 : i32
    %shift_left3A_676 = vector.broadcast %shift_left3A_675 : i32 to vector<128x512xi32>
    %shift_left3A_677 = arith.shli %add3A_673, %shift_left3A_676 : vector<128x512xi32>
    %shift_right_logical3A_678 = arith.constant 19 : i32
    %shift_right_logical3A_679 = vector.broadcast %shift_right_logical3A_678 : i32 to vector<128x512xi32>
    %shift_right_logical3A_680 = arith.shrui %add3A_673, %shift_right_logical3A_679 : vector<128x512xi32>
    %or3A_681 = arith.ori %shift_left3A_677, %shift_right_logical3A_680 : vector<128x512xi32>
    %xor3A_682 = arith.xori %add3A_674, %or3A_681 : vector<128x512xi32>
    %add3A_683 = arith.addi %add3A_674, %xor3A_682 : vector<128x512xi32>
    %shift_left3A_684 = arith.constant 15 : i32
    %shift_left3A_685 = vector.broadcast %shift_left3A_684 : i32 to vector<128x512xi32>
    %shift_left3A_686 = arith.shli %xor3A_682, %shift_left3A_685 : vector<128x512xi32>
    %shift_right_logical3A_687 = arith.constant 17 : i32
    %shift_right_logical3A_688 = vector.broadcast %shift_right_logical3A_687 : i32 to vector<128x512xi32>
    %shift_right_logical3A_689 = arith.shrui %xor3A_682, %shift_right_logical3A_688 : vector<128x512xi32>
    %or3A_690 = arith.ori %shift_left3A_686, %shift_right_logical3A_689 : vector<128x512xi32>
    %xor3A_691 = arith.xori %add3A_683, %or3A_690 : vector<128x512xi32>
    %add3A_692 = arith.addi %add3A_683, %xor3A_691 : vector<128x512xi32>
    %shift_left3A_693 = arith.constant 26 : i32
    %shift_left3A_694 = vector.broadcast %shift_left3A_693 : i32 to vector<128x512xi32>
    %shift_left3A_695 = arith.shli %xor3A_691, %shift_left3A_694 : vector<128x512xi32>
    %shift_right_logical3A_696 = arith.constant 6 : i32
    %shift_right_logical3A_697 = vector.broadcast %shift_right_logical3A_696 : i32 to vector<128x512xi32>
    %shift_right_logical3A_698 = arith.shrui %xor3A_691, %shift_right_logical3A_697 : vector<128x512xi32>
    %or3A_699 = arith.ori %shift_left3A_695, %shift_right_logical3A_698 : vector<128x512xi32>
    %xor3A_700 = arith.xori %add3A_692, %or3A_699 : vector<128x512xi32>
    %add3A_701 = arith.addi %add3A_692, %xor3A_700 : vector<128x512xi32>
    %shift_left3A_702 = arith.constant 6 : i32
    %shift_left3A_703 = vector.broadcast %shift_left3A_702 : i32 to vector<128x512xi32>
    %shift_left3A_704 = arith.shli %xor3A_700, %shift_left3A_703 : vector<128x512xi32>
    %shift_right_logical3A_705 = arith.constant 26 : i32
    %shift_right_logical3A_706 = vector.broadcast %shift_right_logical3A_705 : i32 to vector<128x512xi32>
    %shift_right_logical3A_707 = arith.shrui %xor3A_700, %shift_right_logical3A_706 : vector<128x512xi32>
    %or3A_708 = arith.ori %shift_left3A_704, %shift_right_logical3A_707 : vector<128x512xi32>
    %xor3A_709 = arith.xori %add3A_701, %or3A_708 : vector<128x512xi32>
    %add3A_710 = arith.constant 0 : i32
    %add3A_711 = vector.broadcast %add3A_710 : i32 to vector<128x512xi32>
    %add3A_712 = arith.addi %add3A_701, %add3A_711 : vector<128x512xi32>
    %add3A_713 = arith.constant 42 : i32
    %add3A_714 = vector.broadcast %add3A_713 : i32 to vector<128x512xi32>
    %add3A_715 = arith.addi %xor3A_709, %add3A_714 : vector<128x512xi32>
    %add3A_716 = arith.constant 3 : i32
    %add3A_717 = vector.broadcast %add3A_716 : i32 to vector<128x512xi32>
    %add3A_718 = arith.addi %add3A_715, %add3A_717 : vector<128x512xi32>
    %add3A_719 = arith.addi %add3A_712, %add3A_718 : vector<128x512xi32>
    %shift_left3A_720 = arith.constant 17 : i32
    %shift_left3A_721 = vector.broadcast %shift_left3A_720 : i32 to vector<128x512xi32>
    %shift_left3A_722 = arith.shli %add3A_718, %shift_left3A_721 : vector<128x512xi32>
    %shift_right_logical3A_723 = arith.constant 15 : i32
    %shift_right_logical3A_724 = vector.broadcast %shift_right_logical3A_723 : i32 to vector<128x512xi32>
    %shift_right_logical3A_725 = arith.shrui %add3A_718, %shift_right_logical3A_724 : vector<128x512xi32>
    %or3A_726 = arith.ori %shift_left3A_722, %shift_right_logical3A_725 : vector<128x512xi32>
    %xor3A_727 = arith.xori %add3A_719, %or3A_726 : vector<128x512xi32>
    %add3A_728 = arith.addi %add3A_719, %xor3A_727 : vector<128x512xi32>
    %shift_left3A_729 = arith.constant 29 : i32
    %shift_left3A_730 = vector.broadcast %shift_left3A_729 : i32 to vector<128x512xi32>
    %shift_left3A_731 = arith.shli %xor3A_727, %shift_left3A_730 : vector<128x512xi32>
    %shift_right_logical3A_732 = arith.constant 3 : i32
    %shift_right_logical3A_733 = vector.broadcast %shift_right_logical3A_732 : i32 to vector<128x512xi32>
    %shift_right_logical3A_734 = arith.shrui %xor3A_727, %shift_right_logical3A_733 : vector<128x512xi32>
    %or3A_735 = arith.ori %shift_left3A_731, %shift_right_logical3A_734 : vector<128x512xi32>
    %xor3A_736 = arith.xori %add3A_728, %or3A_735 : vector<128x512xi32>
    %add3A_737 = arith.addi %add3A_728, %xor3A_736 : vector<128x512xi32>
    %shift_left3A_738 = arith.constant 16 : i32
    %shift_left3A_739 = vector.broadcast %shift_left3A_738 : i32 to vector<128x512xi32>
    %shift_left3A_740 = arith.shli %xor3A_736, %shift_left3A_739 : vector<128x512xi32>
    %shift_right_logical3A_741 = arith.constant 16 : i32
    %shift_right_logical3A_742 = vector.broadcast %shift_right_logical3A_741 : i32 to vector<128x512xi32>
    %shift_right_logical3A_743 = arith.shrui %xor3A_736, %shift_right_logical3A_742 : vector<128x512xi32>
    %or3A_744 = arith.ori %shift_left3A_740, %shift_right_logical3A_743 : vector<128x512xi32>
    %xor3A_745 = arith.xori %add3A_737, %or3A_744 : vector<128x512xi32>
    %add3A_746 = arith.addi %add3A_737, %xor3A_745 : vector<128x512xi32>
    %shift_left3A_747 = arith.constant 24 : i32
    %shift_left3A_748 = vector.broadcast %shift_left3A_747 : i32 to vector<128x512xi32>
    %shift_left3A_749 = arith.shli %xor3A_745, %shift_left3A_748 : vector<128x512xi32>
    %shift_right_logical3A_750 = arith.constant 8 : i32
    %shift_right_logical3A_751 = vector.broadcast %shift_right_logical3A_750 : i32 to vector<128x512xi32>
    %shift_right_logical3A_752 = arith.shrui %xor3A_745, %shift_right_logical3A_751 : vector<128x512xi32>
    %or3A_753 = arith.ori %shift_left3A_749, %shift_right_logical3A_752 : vector<128x512xi32>
    %xor3A_754 = arith.xori %add3A_746, %or3A_753 : vector<128x512xi32>
    %add3A_755 = arith.constant 42 : i32
    %add3A_756 = vector.broadcast %add3A_755 : i32 to vector<128x512xi32>
    %add3A_757 = arith.addi %add3A_746, %add3A_756 : vector<128x512xi32>
    %add3A_758 = arith.constant 466689008 : i32
    %add3A_759 = vector.broadcast %add3A_758 : i32 to vector<128x512xi32>
    %add3A_760 = arith.addi %xor3A_754, %add3A_759 : vector<128x512xi32>
    %add3A_761 = arith.constant 4 : i32
    %add3A_762 = vector.broadcast %add3A_761 : i32 to vector<128x512xi32>
    %add3A_763 = arith.addi %add3A_760, %add3A_762 : vector<128x512xi32>
    %add3A_764 = arith.addi %add3A_757, %add3A_763 : vector<128x512xi32>
    %shift_left3A_765 = arith.constant 13 : i32
    %shift_left3A_766 = vector.broadcast %shift_left3A_765 : i32 to vector<128x512xi32>
    %shift_left3A_767 = arith.shli %add3A_763, %shift_left3A_766 : vector<128x512xi32>
    %shift_right_logical3A_768 = arith.constant 19 : i32
    %shift_right_logical3A_769 = vector.broadcast %shift_right_logical3A_768 : i32 to vector<128x512xi32>
    %shift_right_logical3A_770 = arith.shrui %add3A_763, %shift_right_logical3A_769 : vector<128x512xi32>
    %or3A_771 = arith.ori %shift_left3A_767, %shift_right_logical3A_770 : vector<128x512xi32>
    %xor3A_772 = arith.xori %add3A_764, %or3A_771 : vector<128x512xi32>
    %add3A_773 = arith.addi %add3A_764, %xor3A_772 : vector<128x512xi32>
    %shift_left3A_774 = arith.constant 15 : i32
    %shift_left3A_775 = vector.broadcast %shift_left3A_774 : i32 to vector<128x512xi32>
    %shift_left3A_776 = arith.shli %xor3A_772, %shift_left3A_775 : vector<128x512xi32>
    %shift_right_logical3A_777 = arith.constant 17 : i32
    %shift_right_logical3A_778 = vector.broadcast %shift_right_logical3A_777 : i32 to vector<128x512xi32>
    %shift_right_logical3A_779 = arith.shrui %xor3A_772, %shift_right_logical3A_778 : vector<128x512xi32>
    %or3A_780 = arith.ori %shift_left3A_776, %shift_right_logical3A_779 : vector<128x512xi32>
    %xor3A_781 = arith.xori %add3A_773, %or3A_780 : vector<128x512xi32>
    %add3A_782 = arith.addi %add3A_773, %xor3A_781 : vector<128x512xi32>
    %shift_left3A_783 = arith.constant 26 : i32
    %shift_left3A_784 = vector.broadcast %shift_left3A_783 : i32 to vector<128x512xi32>
    %shift_left3A_785 = arith.shli %xor3A_781, %shift_left3A_784 : vector<128x512xi32>
    %shift_right_logical3A_786 = arith.constant 6 : i32
    %shift_right_logical3A_787 = vector.broadcast %shift_right_logical3A_786 : i32 to vector<128x512xi32>
    %shift_right_logical3A_788 = arith.shrui %xor3A_781, %shift_right_logical3A_787 : vector<128x512xi32>
    %or3A_789 = arith.ori %shift_left3A_785, %shift_right_logical3A_788 : vector<128x512xi32>
    %xor3A_790 = arith.xori %add3A_782, %or3A_789 : vector<128x512xi32>
    %add3A_791 = arith.addi %add3A_782, %xor3A_790 : vector<128x512xi32>
    %shift_left3A_792 = arith.constant 6 : i32
    %shift_left3A_793 = vector.broadcast %shift_left3A_792 : i32 to vector<128x512xi32>
    %shift_left3A_794 = arith.shli %xor3A_790, %shift_left3A_793 : vector<128x512xi32>
    %shift_right_logical3A_795 = arith.constant 26 : i32
    %shift_right_logical3A_796 = vector.broadcast %shift_right_logical3A_795 : i32 to vector<128x512xi32>
    %shift_right_logical3A_797 = arith.shrui %xor3A_790, %shift_right_logical3A_796 : vector<128x512xi32>
    %or3A_798 = arith.ori %shift_left3A_794, %shift_right_logical3A_797 : vector<128x512xi32>
    %xor3A_799 = arith.xori %add3A_791, %or3A_798 : vector<128x512xi32>
    %add3A_800 = arith.constant 466689008 : i32
    %add3A_801 = vector.broadcast %add3A_800 : i32 to vector<128x512xi32>
    %add3A_802 = arith.addi %add3A_791, %add3A_801 : vector<128x512xi32>
    %add3A_803 = arith.constant 0 : i32
    %add3A_804 = vector.broadcast %add3A_803 : i32 to vector<128x512xi32>
    %add3A_805 = arith.addi %xor3A_799, %add3A_804 : vector<128x512xi32>
    %add3A_806 = arith.constant 5 : i32
    %add3A_807 = vector.broadcast %add3A_806 : i32 to vector<128x512xi32>
    %add3A_808 = arith.addi %add3A_805, %add3A_807 : vector<128x512xi32>
    %xor3A_809 = arith.xori %add3A_802, %add3A_808 : vector<128x512xi32>
    %shift_right_logical3A_810 = arith.constant 9 : i32
    %shift_right_logical3A_811 = vector.broadcast %shift_right_logical3A_810 : i32 to vector<128x512xi32>
    %shift_right_logical3A_812 = arith.shrui %xor3A_809, %shift_right_logical3A_811 : vector<128x512xi32>
    %or3A_813 = arith.constant 1065353216 : i32
    %or3A_814 = vector.broadcast %or3A_813 : i32 to vector<128x512xi32>
    %or3A_815 = arith.ori %shift_right_logical3A_812, %or3A_814 : vector<128x512xi32>
    %bitcast_convert_type3A_816 = tpu.bitcast %or3A_815 : vector<128x512xi32> -> vector<128x512xf32>
    %sub3A_817 = arith.constant 1.000000e+00 : f32
    %sub3A_818 = vector.broadcast %sub3A_817 : f32 to vector<128x512xf32>
    %sub3A_819 = arith.subf %bitcast_convert_type3A_816, %sub3A_818 : vector<128x512xf32>
    %add3A_820 = arith.constant 9.99999968E-21 : f32
    %add3A_821 = vector.broadcast %add3A_820 : f32 to vector<128x512xf32>
    %add3A_822 = arith.addf %sub3A_819, %add3A_821 : vector<128x512xf32>
    %log3A_823 = math.log %add3A_822 : vector<128x512xf32>
    %neg3A_824 = arith.constant 0.000000e+00 : f32
    %neg3A_825 = vector.broadcast %neg3A_824 : f32 to vector<128x512xf32>
    %neg3A_826 = arith.subf %neg3A_825, %log3A_823 : vector<128x512xf32>
    %add3A_827 = arith.constant 9.99999968E-21 : f32
    %add3A_828 = vector.broadcast %add3A_827 : f32 to vector<128x512xf32>
    %add3A_829 = arith.addf %neg3A_826, %add3A_828 : vector<128x512xf32>
    %log3A_830 = math.log %add3A_829 : vector<128x512xf32>
    %neg3A_831 = arith.constant 0.000000e+00 : f32
    %neg3A_832 = vector.broadcast %neg3A_831 : f32 to vector<128x512xf32>
    %neg3A_833 = arith.subf %neg3A_832, %log3A_830 : vector<128x512xf32>
    %add3A_834 = arith.addf %get3A_569, %neg3A_833 : vector<128x512xf32>
    %lt3A_835 = arith.constant 100000 : i32
    %lt3A_836 = vector.broadcast %lt3A_835 : i32 to vector<128x512xi32>
    %lt3A_837 = arith.cmpi slt, %add3A_572, %lt3A_836 : vector<128x512xi32>
    %jit3A_838 = arith.constant 0xFF800000 : f32
    %broadcast_in_dim3A_839 = vector.broadcast %jit3A_838 : f32 to vector<128x512xf32>
    %select_n3A_840 = arith.select %lt3A_837, %add3A_834, %broadcast_in_dim3A_839 : vector<128x512xi1>, vector<128x512xf32>
    %reduce_max3A_841 = arith.constant dense<0xFF800000> : vector<128xf32>
    %reduce_max3A_842 = vector.multi_reduction <maximumf>, %select_n3A_840, %reduce_max3A_841 [1] : vector<128x512xf32> to vector<128xf32>
    %broadcast_in_dim3A_843 = vector.shape_cast %reduce_max3A_842 : vector<128xf32> to vector<128x1xf32>
    %eq3A_844 = vector.broadcast %broadcast_in_dim3A_843 : vector<128x1xf32> to vector<128x512xf32>
    %eq3A_845 = arith.cmpf oeq, %select_n3A_840, %eq3A_844 : vector<128x512xf32>
    %jit3A_846 = arith.constant 2147483647 : i32
    %broadcast_in_dim3A_847 = vector.broadcast %jit3A_846 : i32 to vector<128x512xi32>
    %select_n3A_848 = arith.select %eq3A_845, %add3A_572, %broadcast_in_dim3A_847 : vector<128x512xi1>, vector<128x512xi32>
    %reduce_min3A_849 = arith.constant dense<2147483647> : vector<128xi32>
    %reduce_min3A_850 = vector.multi_reduction <minsi>, %select_n3A_848, %reduce_min3A_849 [1] : vector<128x512xi32> to vector<128xi32>
    %broadcast_in_dim3A_851 = vector.shape_cast %reduce_min3A_850 : vector<128xi32> to vector<128x1xi32>
    %gt3A_852 = arith.cmpf ogt, %broadcast_in_dim3A_843, %select_n3A_565 : vector<128x1xf32>
    %select_n3A_853 = arith.select %gt3A_852, %broadcast_in_dim3A_843, %select_n3A_565 : vector<128x1xi1>, vector<128x1xf32>
    %select_n3A_854 = arith.select %gt3A_852, %broadcast_in_dim3A_851, %select_n3A_566 : vector<128x1xi1>, vector<128x1xi32>
    %get3A_855 = arith.constant 0 : index
    %get3A_856 = arith.constant 1536 : index
    %get3A_857 = vector.load %arg1[%get3A_855, %get3A_856] : memref<128x4096xf32, #tpu.memory_space<vmem>>, vector<128x512xf32>
    %add3A_858 = arith.constant 1536 : i32
    %add3A_859 = vector.broadcast %add3A_858 : i32 to vector<128x512xi32>
    %add3A_860 = arith.addi %add3A_4, %add3A_859 : vector<128x512xi32>
    %add3A_861 = arith.constant 1536 : i32
    %add3A_862 = vector.broadcast %add3A_861 : i32 to vector<128x512xi32>
    %add3A_863 = arith.addi %add3A_9, %add3A_862 : vector<128x512xi32>
    %broadcast_in_dim3A_864 = arith.constant 0 : i32
    %broadcast_in_dim3A_865 = vector.broadcast %broadcast_in_dim3A_864 : i32 to vector<128x512xi32>
    %add3A_866 = arith.constant 0 : i32
    %add3A_867 = vector.broadcast %add3A_866 : i32 to vector<128x512xi32>
    %add3A_868 = arith.addi %broadcast_in_dim3A_865, %add3A_867 : vector<128x512xi32>
    %add3A_869 = arith.constant 42 : i32
    %add3A_870 = vector.broadcast %add3A_869 : i32 to vector<128x512xi32>
    %add3A_871 = arith.addi %add3A_863, %add3A_870 : vector<128x512xi32>
    %add3A_872 = arith.addi %add3A_868, %add3A_871 : vector<128x512xi32>
    %shift_left3A_873 = arith.constant 13 : i32
    %shift_left3A_874 = vector.broadcast %shift_left3A_873 : i32 to vector<128x512xi32>
    %shift_left3A_875 = arith.shli %add3A_871, %shift_left3A_874 : vector<128x512xi32>
    %shift_right_logical3A_876 = arith.constant 19 : i32
    %shift_right_logical3A_877 = vector.broadcast %shift_right_logical3A_876 : i32 to vector<128x512xi32>
    %shift_right_logical3A_878 = arith.shrui %add3A_871, %shift_right_logical3A_877 : vector<128x512xi32>
    %or3A_879 = arith.ori %shift_left3A_875, %shift_right_logical3A_878 : vector<128x512xi32>
    %xor3A_880 = arith.xori %add3A_872, %or3A_879 : vector<128x512xi32>
    %add3A_881 = arith.addi %add3A_872, %xor3A_880 : vector<128x512xi32>
    %shift_left3A_882 = arith.constant 15 : i32
    %shift_left3A_883 = vector.broadcast %shift_left3A_882 : i32 to vector<128x512xi32>
    %shift_left3A_884 = arith.shli %xor3A_880, %shift_left3A_883 : vector<128x512xi32>
    %shift_right_logical3A_885 = arith.constant 17 : i32
    %shift_right_logical3A_886 = vector.broadcast %shift_right_logical3A_885 : i32 to vector<128x512xi32>
    %shift_right_logical3A_887 = arith.shrui %xor3A_880, %shift_right_logical3A_886 : vector<128x512xi32>
    %or3A_888 = arith.ori %shift_left3A_884, %shift_right_logical3A_887 : vector<128x512xi32>
    %xor3A_889 = arith.xori %add3A_881, %or3A_888 : vector<128x512xi32>
    %add3A_890 = arith.addi %add3A_881, %xor3A_889 : vector<128x512xi32>
    %shift_left3A_891 = arith.constant 26 : i32
    %shift_left3A_892 = vector.broadcast %shift_left3A_891 : i32 to vector<128x512xi32>
    %shift_left3A_893 = arith.shli %xor3A_889, %shift_left3A_892 : vector<128x512xi32>
    %shift_right_logical3A_894 = arith.constant 6 : i32
    %shift_right_logical3A_895 = vector.broadcast %shift_right_logical3A_894 : i32 to vector<128x512xi32>
    %shift_right_logical3A_896 = arith.shrui %xor3A_889, %shift_right_logical3A_895 : vector<128x512xi32>
    %or3A_897 = arith.ori %shift_left3A_893, %shift_right_logical3A_896 : vector<128x512xi32>
    %xor3A_898 = arith.xori %add3A_890, %or3A_897 : vector<128x512xi32>
    %add3A_899 = arith.addi %add3A_890, %xor3A_898 : vector<128x512xi32>
    %shift_left3A_900 = arith.constant 6 : i32
    %shift_left3A_901 = vector.broadcast %shift_left3A_900 : i32 to vector<128x512xi32>
    %shift_left3A_902 = arith.shli %xor3A_898, %shift_left3A_901 : vector<128x512xi32>
    %shift_right_logical3A_903 = arith.constant 26 : i32
    %shift_right_logical3A_904 = vector.broadcast %shift_right_logical3A_903 : i32 to vector<128x512xi32>
    %shift_right_logical3A_905 = arith.shrui %xor3A_898, %shift_right_logical3A_904 : vector<128x512xi32>
    %or3A_906 = arith.ori %shift_left3A_902, %shift_right_logical3A_905 : vector<128x512xi32>
    %xor3A_907 = arith.xori %add3A_899, %or3A_906 : vector<128x512xi32>
    %add3A_908 = arith.constant 42 : i32
    %add3A_909 = vector.broadcast %add3A_908 : i32 to vector<128x512xi32>
    %add3A_910 = arith.addi %add3A_899, %add3A_909 : vector<128x512xi32>
    %add3A_911 = arith.constant 466689008 : i32
    %add3A_912 = vector.broadcast %add3A_911 : i32 to vector<128x512xi32>
    %add3A_913 = arith.addi %xor3A_907, %add3A_912 : vector<128x512xi32>
    %add3A_914 = arith.constant 1 : i32
    %add3A_915 = vector.broadcast %add3A_914 : i32 to vector<128x512xi32>
    %add3A_916 = arith.addi %add3A_913, %add3A_915 : vector<128x512xi32>
    %add3A_917 = arith.addi %add3A_910, %add3A_916 : vector<128x512xi32>
    %shift_left3A_918 = arith.constant 17 : i32
    %shift_left3A_919 = vector.broadcast %shift_left3A_918 : i32 to vector<128x512xi32>
    %shift_left3A_920 = arith.shli %add3A_916, %shift_left3A_919 : vector<128x512xi32>
    %shift_right_logical3A_921 = arith.constant 15 : i32
    %shift_right_logical3A_922 = vector.broadcast %shift_right_logical3A_921 : i32 to vector<128x512xi32>
    %shift_right_logical3A_923 = arith.shrui %add3A_916, %shift_right_logical3A_922 : vector<128x512xi32>
    %or3A_924 = arith.ori %shift_left3A_920, %shift_right_logical3A_923 : vector<128x512xi32>
    %xor3A_925 = arith.xori %add3A_917, %or3A_924 : vector<128x512xi32>
    %add3A_926 = arith.addi %add3A_917, %xor3A_925 : vector<128x512xi32>
    %shift_left3A_927 = arith.constant 29 : i32
    %shift_left3A_928 = vector.broadcast %shift_left3A_927 : i32 to vector<128x512xi32>
    %shift_left3A_929 = arith.shli %xor3A_925, %shift_left3A_928 : vector<128x512xi32>
    %shift_right_logical3A_930 = arith.constant 3 : i32
    %shift_right_logical3A_931 = vector.broadcast %shift_right_logical3A_930 : i32 to vector<128x512xi32>
    %shift_right_logical3A_932 = arith.shrui %xor3A_925, %shift_right_logical3A_931 : vector<128x512xi32>
    %or3A_933 = arith.ori %shift_left3A_929, %shift_right_logical3A_932 : vector<128x512xi32>
    %xor3A_934 = arith.xori %add3A_926, %or3A_933 : vector<128x512xi32>
    %add3A_935 = arith.addi %add3A_926, %xor3A_934 : vector<128x512xi32>
    %shift_left3A_936 = arith.constant 16 : i32
    %shift_left3A_937 = vector.broadcast %shift_left3A_936 : i32 to vector<128x512xi32>
    %shift_left3A_938 = arith.shli %xor3A_934, %shift_left3A_937 : vector<128x512xi32>
    %shift_right_logical3A_939 = arith.constant 16 : i32
    %shift_right_logical3A_940 = vector.broadcast %shift_right_logical3A_939 : i32 to vector<128x512xi32>
    %shift_right_logical3A_941 = arith.shrui %xor3A_934, %shift_right_logical3A_940 : vector<128x512xi32>
    %or3A_942 = arith.ori %shift_left3A_938, %shift_right_logical3A_941 : vector<128x512xi32>
    %xor3A_943 = arith.xori %add3A_935, %or3A_942 : vector<128x512xi32>
    %add3A_944 = arith.addi %add3A_935, %xor3A_943 : vector<128x512xi32>
    %shift_left3A_945 = arith.constant 24 : i32
    %shift_left3A_946 = vector.broadcast %shift_left3A_945 : i32 to vector<128x512xi32>
    %shift_left3A_947 = arith.shli %xor3A_943, %shift_left3A_946 : vector<128x512xi32>
    %shift_right_logical3A_948 = arith.constant 8 : i32
    %shift_right_logical3A_949 = vector.broadcast %shift_right_logical3A_948 : i32 to vector<128x512xi32>
    %shift_right_logical3A_950 = arith.shrui %xor3A_943, %shift_right_logical3A_949 : vector<128x512xi32>
    %or3A_951 = arith.ori %shift_left3A_947, %shift_right_logical3A_950 : vector<128x512xi32>
    %xor3A_952 = arith.xori %add3A_944, %or3A_951 : vector<128x512xi32>
    %add3A_953 = arith.constant 466689008 : i32
    %add3A_954 = vector.broadcast %add3A_953 : i32 to vector<128x512xi32>
    %add3A_955 = arith.addi %add3A_944, %add3A_954 : vector<128x512xi32>
    %add3A_956 = arith.constant 0 : i32
    %add3A_957 = vector.broadcast %add3A_956 : i32 to vector<128x512xi32>
    %add3A_958 = arith.addi %xor3A_952, %add3A_957 : vector<128x512xi32>
    %add3A_959 = arith.constant 2 : i32
    %add3A_960 = vector.broadcast %add3A_959 : i32 to vector<128x512xi32>
    %add3A_961 = arith.addi %add3A_958, %add3A_960 : vector<128x512xi32>
    %add3A_962 = arith.addi %add3A_955, %add3A_961 : vector<128x512xi32>
    %shift_left3A_963 = arith.constant 13 : i32
    %shift_left3A_964 = vector.broadcast %shift_left3A_963 : i32 to vector<128x512xi32>
    %shift_left3A_965 = arith.shli %add3A_961, %shift_left3A_964 : vector<128x512xi32>
    %shift_right_logical3A_966 = arith.constant 19 : i32
    %shift_right_logical3A_967 = vector.broadcast %shift_right_logical3A_966 : i32 to vector<128x512xi32>
    %shift_right_logical3A_968 = arith.shrui %add3A_961, %shift_right_logical3A_967 : vector<128x512xi32>
    %or3A_969 = arith.ori %shift_left3A_965, %shift_right_logical3A_968 : vector<128x512xi32>
    %xor3A_970 = arith.xori %add3A_962, %or3A_969 : vector<128x512xi32>
    %add3A_971 = arith.addi %add3A_962, %xor3A_970 : vector<128x512xi32>
    %shift_left3A_972 = arith.constant 15 : i32
    %shift_left3A_973 = vector.broadcast %shift_left3A_972 : i32 to vector<128x512xi32>
    %shift_left3A_974 = arith.shli %xor3A_970, %shift_left3A_973 : vector<128x512xi32>
    %shift_right_logical3A_975 = arith.constant 17 : i32
    %shift_right_logical3A_976 = vector.broadcast %shift_right_logical3A_975 : i32 to vector<128x512xi32>
    %shift_right_logical3A_977 = arith.shrui %xor3A_970, %shift_right_logical3A_976 : vector<128x512xi32>
    %or3A_978 = arith.ori %shift_left3A_974, %shift_right_logical3A_977 : vector<128x512xi32>
    %xor3A_979 = arith.xori %add3A_971, %or3A_978 : vector<128x512xi32>
    %add3A_980 = arith.addi %add3A_971, %xor3A_979 : vector<128x512xi32>
    %shift_left3A_981 = arith.constant 26 : i32
    %shift_left3A_982 = vector.broadcast %shift_left3A_981 : i32 to vector<128x512xi32>
    %shift_left3A_983 = arith.shli %xor3A_979, %shift_left3A_982 : vector<128x512xi32>
    %shift_right_logical3A_984 = arith.constant 6 : i32
    %shift_right_logical3A_985 = vector.broadcast %shift_right_logical3A_984 : i32 to vector<128x512xi32>
    %shift_right_logical3A_986 = arith.shrui %xor3A_979, %shift_right_logical3A_985 : vector<128x512xi32>
    %or3A_987 = arith.ori %shift_left3A_983, %shift_right_logical3A_986 : vector<128x512xi32>
    %xor3A_988 = arith.xori %add3A_980, %or3A_987 : vector<128x512xi32>
    %add3A_989 = arith.addi %add3A_980, %xor3A_988 : vector<128x512xi32>
    %shift_left3A_990 = arith.constant 6 : i32
    %shift_left3A_991 = vector.broadcast %shift_left3A_990 : i32 to vector<128x512xi32>
    %shift_left3A_992 = arith.shli %xor3A_988, %shift_left3A_991 : vector<128x512xi32>
    %shift_right_logical3A_993 = arith.constant 26 : i32
    %shift_right_logical3A_994 = vector.broadcast %shift_right_logical3A_993 : i32 to vector<128x512xi32>
    %shift_right_logical3A_995 = arith.shrui %xor3A_988, %shift_right_logical3A_994 : vector<128x512xi32>
    %or3A_996 = arith.ori %shift_left3A_992, %shift_right_logical3A_995 : vector<128x512xi32>
    %xor3A_997 = arith.xori %add3A_989, %or3A_996 : vector<128x512xi32>
    %add3A_998 = arith.constant 0 : i32
    %add3A_999 = vector.broadcast %add3A_998 : i32 to vector<128x512xi32>
    %add3A_1000 = arith.addi %add3A_989, %add3A_999 : vector<128x512xi32>
    %add3A_1001 = arith.constant 42 : i32
    %add3A_1002 = vector.broadcast %add3A_1001 : i32 to vector<128x512xi32>
    %add3A_1003 = arith.addi %xor3A_997, %add3A_1002 : vector<128x512xi32>
    %add3A_1004 = arith.constant 3 : i32
    %add3A_1005 = vector.broadcast %add3A_1004 : i32 to vector<128x512xi32>
    %add3A_1006 = arith.addi %add3A_1003, %add3A_1005 : vector<128x512xi32>
    %add3A_1007 = arith.addi %add3A_1000, %add3A_1006 : vector<128x512xi32>
    %shift_left3A_1008 = arith.constant 17 : i32
    %shift_left3A_1009 = vector.broadcast %shift_left3A_1008 : i32 to vector<128x512xi32>
    %shift_left3A_1010 = arith.shli %add3A_1006, %shift_left3A_1009 : vector<128x512xi32>
    %shift_right_logical3A_1011 = arith.constant 15 : i32
    %shift_right_logical3A_1012 = vector.broadcast %shift_right_logical3A_1011 : i32 to vector<128x512xi32>
    %shift_right_logical3A_1013 = arith.shrui %add3A_1006, %shift_right_logical3A_1012 : vector<128x512xi32>
    %or3A_1014 = arith.ori %shift_left3A_1010, %shift_right_logical3A_1013 : vector<128x512xi32>
    %xor3A_1015 = arith.xori %add3A_1007, %or3A_1014 : vector<128x512xi32>
    %add3A_1016 = arith.addi %add3A_1007, %xor3A_1015 : vector<128x512xi32>
    %shift_left3A_1017 = arith.constant 29 : i32
    %shift_left3A_1018 = vector.broadcast %shift_left3A_1017 : i32 to vector<128x512xi32>
    %shift_left3A_1019 = arith.shli %xor3A_1015, %shift_left3A_1018 : vector<128x512xi32>
    %shift_right_logical3A_1020 = arith.constant 3 : i32
    %shift_right_logical3A_1021 = vector.broadcast %shift_right_logical3A_1020 : i32 to vector<128x512xi32>
    %shift_right_logical3A_1022 = arith.shrui %xor3A_1015, %shift_right_logical3A_1021 : vector<128x512xi32>
    %or3A_1023 = arith.ori %shift_left3A_1019, %shift_right_logical3A_1022 : vector<128x512xi32>
    %xor3A_1024 = arith.xori %add3A_1016, %or3A_1023 : vector<128x512xi32>
    %add3A_1025 = arith.addi %add3A_1016, %xor3A_1024 : vector<128x512xi32>
    %shift_left3A_1026 = arith.constant 16 : i32
    %shift_left3A_1027 = vector.broadcast %shift_left3A_1026 : i32 to vector<128x512xi32>
    %shift_left3A_1028 = arith.shli %xor3A_1024, %shift_left3A_1027 : vector<128x512xi32>
    %shift_right_logical3A_1029 = arith.constant 16 : i32
    %shift_right_logical3A_1030 = vector.broadcast %shift_right_logical3A_1029 : i32 to vector<128x512xi32>
    %shift_right_logical3A_1031 = arith.shrui %xor3A_1024, %shift_right_logical3A_1030 : vector<128x512xi32>
    %or3A_1032 = arith.ori %shift_left3A_1028, %shift_right_logical3A_1031 : vector<128x512xi32>
    %xor3A_1033 = arith.xori %add3A_1025, %or3A_1032 : vector<128x512xi32>
    %add3A_1034 = arith.addi %add3A_1025, %xor3A_1033 : vector<128x512xi32>
    %shift_left3A_1035 = arith.constant 24 : i32
    %shift_left3A_1036 = vector.broadcast %shift_left3A_1035 : i32 to vector<128x512xi32>
    %shift_left3A_1037 = arith.shli %xor3A_1033, %shift_left3A_1036 : vector<128x512xi32>
    %shift_right_logical3A_1038 = arith.constant 8 : i32
    %shift_right_logical3A_1039 = vector.broadcast %shift_right_logical3A_1038 : i32 to vector<128x512xi32>
    %shift_right_logical3A_1040 = arith.shrui %xor3A_1033, %shift_right_logical3A_1039 : vector<128x512xi32>
    %or3A_1041 = arith.ori %shift_left3A_1037, %shift_right_logical3A_1040 : vector<128x512xi32>
    %xor3A_1042 = arith.xori %add3A_1034, %or3A_1041 : vector<128x512xi32>
    %add3A_1043 = arith.constant 42 : i32
    %add3A_1044 = vector.broadcast %add3A_1043 : i32 to vector<128x512xi32>
    %add3A_1045 = arith.addi %add3A_1034, %add3A_1044 : vector<128x512xi32>
    %add3A_1046 = arith.constant 466689008 : i32
    %add3A_1047 = vector.broadcast %add3A_1046 : i32 to vector<128x512xi32>
    %add3A_1048 = arith.addi %xor3A_1042, %add3A_1047 : vector<128x512xi32>
    %add3A_1049 = arith.constant 4 : i32
    %add3A_1050 = vector.broadcast %add3A_1049 : i32 to vector<128x512xi32>
    %add3A_1051 = arith.addi %add3A_1048, %add3A_1050 : vector<128x512xi32>
    %add3A_1052 = arith.addi %add3A_1045, %add3A_1051 : vector<128x512xi32>
    %shift_left3A_1053 = arith.constant 13 : i32
    %shift_left3A_1054 = vector.broadcast %shift_left3A_1053 : i32 to vector<128x512xi32>
    %shift_left3A_1055 = arith.shli %add3A_1051, %shift_left3A_1054 : vector<128x512xi32>
    %shift_right_logical3A_1056 = arith.constant 19 : i32
    %shift_right_logical3A_1057 = vector.broadcast %shift_right_logical3A_1056 : i32 to vector<128x512xi32>
    %shift_right_logical3A_1058 = arith.shrui %add3A_1051, %shift_right_logical3A_1057 : vector<128x512xi32>
    %or3A_1059 = arith.ori %shift_left3A_1055, %shift_right_logical3A_1058 : vector<128x512xi32>
    %xor3A_1060 = arith.xori %add3A_1052, %or3A_1059 : vector<128x512xi32>
    %add3A_1061 = arith.addi %add3A_1052, %xor3A_1060 : vector<128x512xi32>
    %shift_left3A_1062 = arith.constant 15 : i32
    %shift_left3A_1063 = vector.broadcast %shift_left3A_1062 : i32 to vector<128x512xi32>
    %shift_left3A_1064 = arith.shli %xor3A_1060, %shift_left3A_1063 : vector<128x512xi32>
    %shift_right_logical3A_1065 = arith.constant 17 : i32
    %shift_right_logical3A_1066 = vector.broadcast %shift_right_logical3A_1065 : i32 to vector<128x512xi32>
    %shift_right_logical3A_1067 = arith.shrui %xor3A_1060, %shift_right_logical3A_1066 : vector<128x512xi32>
    %or3A_1068 = arith.ori %shift_left3A_1064, %shift_right_logical3A_1067 : vector<128x512xi32>
    %xor3A_1069 = arith.xori %add3A_1061, %or3A_1068 : vector<128x512xi32>
    %add3A_1070 = arith.addi %add3A_1061, %xor3A_1069 : vector<128x512xi32>
    %shift_left3A_1071 = arith.constant 26 : i32
    %shift_left3A_1072 = vector.broadcast %shift_left3A_1071 : i32 to vector<128x512xi32>
    %shift_left3A_1073 = arith.shli %xor3A_1069, %shift_left3A_1072 : vector<128x512xi32>
    %shift_right_logical3A_1074 = arith.constant 6 : i32
    %shift_right_logical3A_1075 = vector.broadcast %shift_right_logical3A_1074 : i32 to vector<128x512xi32>
    %shift_right_logical3A_1076 = arith.shrui %xor3A_1069, %shift_right_logical3A_1075 : vector<128x512xi32>
    %or3A_1077 = arith.ori %shift_left3A_1073, %shift_right_logical3A_1076 : vector<128x512xi32>
    %xor3A_1078 = arith.xori %add3A_1070, %or3A_1077 : vector<128x512xi32>
    %add3A_1079 = arith.addi %add3A_1070, %xor3A_1078 : vector<128x512xi32>
    %shift_left3A_1080 = arith.constant 6 : i32
    %shift_left3A_1081 = vector.broadcast %shift_left3A_1080 : i32 to vector<128x512xi32>
    %shift_left3A_1082 = arith.shli %xor3A_1078, %shift_left3A_1081 : vector<128x512xi32>
    %shift_right_logical3A_1083 = arith.constant 26 : i32
    %shift_right_logical3A_1084 = vector.broadcast %shift_right_logical3A_1083 : i32 to vector<128x512xi32>
    %shift_right_logical3A_1085 = arith.shrui %xor3A_1078, %shift_right_logical3A_1084 : vector<128x512xi32>
    %or3A_1086 = arith.ori %shift_left3A_1082, %shift_right_logical3A_1085 : vector<128x512xi32>
    %xor3A_1087 = arith.xori %add3A_1079, %or3A_1086 : vector<128x512xi32>
    %add3A_1088 = arith.constant 466689008 : i32
    %add3A_1089 = vector.broadcast %add3A_1088 : i32 to vector<128x512xi32>
    %add3A_1090 = arith.addi %add3A_1079, %add3A_1089 : vector<128x512xi32>
    %add3A_1091 = arith.constant 0 : i32
    %add3A_1092 = vector.broadcast %add3A_1091 : i32 to vector<128x512xi32>
    %add3A_1093 = arith.addi %xor3A_1087, %add3A_1092 : vector<128x512xi32>
    %add3A_1094 = arith.constant 5 : i32
    %add3A_1095 = vector.broadcast %add3A_1094 : i32 to vector<128x512xi32>
    %add3A_1096 = arith.addi %add3A_1093, %add3A_1095 : vector<128x512xi32>
    %xor3A_1097 = arith.xori %add3A_1090, %add3A_1096 : vector<128x512xi32>
    %shift_right_logical3A_1098 = arith.constant 9 : i32
    %shift_right_logical3A_1099 = vector.broadcast %shift_right_logical3A_1098 : i32 to vector<128x512xi32>
    %shift_right_logical3A_1100 = arith.shrui %xor3A_1097, %shift_right_logical3A_1099 : vector<128x512xi32>
    %or3A_1101 = arith.constant 1065353216 : i32
    %or3A_1102 = vector.broadcast %or3A_1101 : i32 to vector<128x512xi32>
    %or3A_1103 = arith.ori %shift_right_logical3A_1100, %or3A_1102 : vector<128x512xi32>
    %bitcast_convert_type3A_1104 = tpu.bitcast %or3A_1103 : vector<128x512xi32> -> vector<128x512xf32>
    %sub3A_1105 = arith.constant 1.000000e+00 : f32
    %sub3A_1106 = vector.broadcast %sub3A_1105 : f32 to vector<128x512xf32>
    %sub3A_1107 = arith.subf %bitcast_convert_type3A_1104, %sub3A_1106 : vector<128x512xf32>
    %add3A_1108 = arith.constant 9.99999968E-21 : f32
    %add3A_1109 = vector.broadcast %add3A_1108 : f32 to vector<128x512xf32>
    %add3A_1110 = arith.addf %sub3A_1107, %add3A_1109 : vector<128x512xf32>
    %log3A_1111 = math.log %add3A_1110 : vector<128x512xf32>
    %neg3A_1112 = arith.constant 0.000000e+00 : f32
    %neg3A_1113 = vector.broadcast %neg3A_1112 : f32 to vector<128x512xf32>
    %neg3A_1114 = arith.subf %neg3A_1113, %log3A_1111 : vector<128x512xf32>
    %add3A_1115 = arith.constant 9.99999968E-21 : f32
    %add3A_1116 = vector.broadcast %add3A_1115 : f32 to vector<128x512xf32>
    %add3A_1117 = arith.addf %neg3A_1114, %add3A_1116 : vector<128x512xf32>
    %log3A_1118 = math.log %add3A_1117 : vector<128x512xf32>
    %neg3A_1119 = arith.constant 0.000000e+00 : f32
    %neg3A_1120 = vector.broadcast %neg3A_1119 : f32 to vector<128x512xf32>
    %neg3A_1121 = arith.subf %neg3A_1120, %log3A_1118 : vector<128x512xf32>
    %add3A_1122 = arith.addf %get3A_857, %neg3A_1121 : vector<128x512xf32>
    %lt3A_1123 = arith.constant 100000 : i32
    %lt3A_1124 = vector.broadcast %lt3A_1123 : i32 to vector<128x512xi32>
    %lt3A_1125 = arith.cmpi slt, %add3A_860, %lt3A_1124 : vector<128x512xi32>
    %jit3A_1126 = arith.constant 0xFF800000 : f32
    %broadcast_in_dim3A_1127 = vector.broadcast %jit3A_1126 : f32 to vector<128x512xf32>
    %select_n3A_1128 = arith.select %lt3A_1125, %add3A_1122, %broadcast_in_dim3A_1127 : vector<128x512xi1>, vector<128x512xf32>
    %reduce_max3A_1129 = arith.constant dense<0xFF800000> : vector<128xf32>
    %reduce_max3A_1130 = vector.multi_reduction <maximumf>, %select_n3A_1128, %reduce_max3A_1129 [1] : vector<128x512xf32> to vector<128xf32>
    %broadcast_in_dim3A_1131 = vector.shape_cast %reduce_max3A_1130 : vector<128xf32> to vector<128x1xf32>
    %eq3A_1132 = vector.broadcast %broadcast_in_dim3A_1131 : vector<128x1xf32> to vector<128x512xf32>
    %eq3A_1133 = arith.cmpf oeq, %select_n3A_1128, %eq3A_1132 : vector<128x512xf32>
    %jit3A_1134 = arith.constant 2147483647 : i32
    %broadcast_in_dim3A_1135 = vector.broadcast %jit3A_1134 : i32 to vector<128x512xi32>
    %select_n3A_1136 = arith.select %eq3A_1133, %add3A_860, %broadcast_in_dim3A_1135 : vector<128x512xi1>, vector<128x512xi32>
    %reduce_min3A_1137 = arith.constant dense<2147483647> : vector<128xi32>
    %reduce_min3A_1138 = vector.multi_reduction <minsi>, %select_n3A_1136, %reduce_min3A_1137 [1] : vector<128x512xi32> to vector<128xi32>
    %broadcast_in_dim3A_1139 = vector.shape_cast %reduce_min3A_1138 : vector<128xi32> to vector<128x1xi32>
    %gt3A_1140 = arith.cmpf ogt, %broadcast_in_dim3A_1131, %select_n3A_853 : vector<128x1xf32>
    %select_n3A_1141 = arith.select %gt3A_1140, %broadcast_in_dim3A_1131, %select_n3A_853 : vector<128x1xi1>, vector<128x1xf32>
    %select_n3A_1142 = arith.select %gt3A_1140, %broadcast_in_dim3A_1139, %select_n3A_854 : vector<128x1xi1>, vector<128x1xi32>
    %get3A_1143 = arith.constant 0 : index
    %get3A_1144 = arith.constant 2048 : index
    %get3A_1145 = vector.load %arg1[%get3A_1143, %get3A_1144] : memref<128x4096xf32, #tpu.memory_space<vmem>>, vector<128x512xf32>
    %add3A_1146 = arith.constant 2048 : i32
    %add3A_1147 = vector.broadcast %add3A_1146 : i32 to vector<128x512xi32>
    %add3A_1148 = arith.addi %add3A_4, %add3A_1147 : vector<128x512xi32>
    %add3A_1149 = arith.constant 2048 : i32
    %add3A_1150 = vector.broadcast %add3A_1149 : i32 to vector<128x512xi32>
    %add3A_1151 = arith.addi %add3A_9, %add3A_1150 : vector<128x512xi32>
    %broadcast_in_dim3A_1152 = arith.constant 0 : i32
    %broadcast_in_dim3A_1153 = vector.broadcast %broadcast_in_dim3A_1152 : i32 to vector<128x512xi32>
    %add3A_1154 = arith.constant 0 : i32
    %add3A_1155 = vector.broadcast %add3A_1154 : i32 to vector<128x512xi32>
    %add3A_1156 = arith.addi %broadcast_in_dim3A_1153, %add3A_1155 : vector<128x512xi32>
    %add3A_1157 = arith.constant 42 : i32
    %add3A_1158 = vector.broadcast %add3A_1157 : i32 to vector<128x512xi32>
    %add3A_1159 = arith.addi %add3A_1151, %add3A_1158 : vector<128x512xi32>
    %add3A_1160 = arith.addi %add3A_1156, %add3A_1159 : vector<128x512xi32>
    %shift_left3A_1161 = arith.constant 13 : i32
    %shift_left3A_1162 = vector.broadcast %shift_left3A_1161 : i32 to vector<128x512xi32>
    %shift_left3A_1163 = arith.shli %add3A_1159, %shift_left3A_1162 : vector<128x512xi32>
    %shift_right_logical3A_1164 = arith.constant 19 : i32
    %shift_right_logical3A_1165 = vector.broadcast %shift_right_logical3A_1164 : i32 to vector<128x512xi32>
    %shift_right_logical3A_1166 = arith.shrui %add3A_1159, %shift_right_logical3A_1165 : vector<128x512xi32>
    %or3A_1167 = arith.ori %shift_left3A_1163, %shift_right_logical3A_1166 : vector<128x512xi32>
    %xor3A_1168 = arith.xori %add3A_1160, %or3A_1167 : vector<128x512xi32>
    %add3A_1169 = arith.addi %add3A_1160, %xor3A_1168 : vector<128x512xi32>
    %shift_left3A_1170 = arith.constant 15 : i32
    %shift_left3A_1171 = vector.broadcast %shift_left3A_1170 : i32 to vector<128x512xi32>
    %shift_left3A_1172 = arith.shli %xor3A_1168, %shift_left3A_1171 : vector<128x512xi32>
    %shift_right_logical3A_1173 = arith.constant 17 : i32
    %shift_right_logical3A_1174 = vector.broadcast %shift_right_logical3A_1173 : i32 to vector<128x512xi32>
    %shift_right_logical3A_1175 = arith.shrui %xor3A_1168, %shift_right_logical3A_1174 : vector<128x512xi32>
    %or3A_1176 = arith.ori %shift_left3A_1172, %shift_right_logical3A_1175 : vector<128x512xi32>
    %xor3A_1177 = arith.xori %add3A_1169, %or3A_1176 : vector<128x512xi32>
    %add3A_1178 = arith.addi %add3A_1169, %xor3A_1177 : vector<128x512xi32>
    %shift_left3A_1179 = arith.constant 26 : i32
    %shift_left3A_1180 = vector.broadcast %shift_left3A_1179 : i32 to vector<128x512xi32>
    %shift_left3A_1181 = arith.shli %xor3A_1177, %shift_left3A_1180 : vector<128x512xi32>
    %shift_right_logical3A_1182 = arith.constant 6 : i32
    %shift_right_logical3A_1183 = vector.broadcast %shift_right_logical3A_1182 : i32 to vector<128x512xi32>
    %shift_right_logical3A_1184 = arith.shrui %xor3A_1177, %shift_right_logical3A_1183 : vector<128x512xi32>
    %or3A_1185 = arith.ori %shift_left3A_1181, %shift_right_logical3A_1184 : vector<128x512xi32>
    %xor3A_1186 = arith.xori %add3A_1178, %or3A_1185 : vector<128x512xi32>
    %add3A_1187 = arith.addi %add3A_1178, %xor3A_1186 : vector<128x512xi32>
    %shift_left3A_1188 = arith.constant 6 : i32
    %shift_left3A_1189 = vector.broadcast %shift_left3A_1188 : i32 to vector<128x512xi32>
    %shift_left3A_1190 = arith.shli %xor3A_1186, %shift_left3A_1189 : vector<128x512xi32>
    %shift_right_logical3A_1191 = arith.constant 26 : i32
    %shift_right_logical3A_1192 = vector.broadcast %shift_right_logical3A_1191 : i32 to vector<128x512xi32>
    %shift_right_logical3A_1193 = arith.shrui %xor3A_1186, %shift_right_logical3A_1192 : vector<128x512xi32>
    %or3A_1194 = arith.ori %shift_left3A_1190, %shift_right_logical3A_1193 : vector<128x512xi32>
    %xor3A_1195 = arith.xori %add3A_1187, %or3A_1194 : vector<128x512xi32>
    %add3A_1196 = arith.constant 42 : i32
    %add3A_1197 = vector.broadcast %add3A_1196 : i32 to vector<128x512xi32>
    %add3A_1198 = arith.addi %add3A_1187, %add3A_1197 : vector<128x512xi32>
    %add3A_1199 = arith.constant 466689008 : i32
    %add3A_1200 = vector.broadcast %add3A_1199 : i32 to vector<128x512xi32>
    %add3A_1201 = arith.addi %xor3A_1195, %add3A_1200 : vector<128x512xi32>
    %add3A_1202 = arith.constant 1 : i32
    %add3A_1203 = vector.broadcast %add3A_1202 : i32 to vector<128x512xi32>
    %add3A_1204 = arith.addi %add3A_1201, %add3A_1203 : vector<128x512xi32>
    %add3A_1205 = arith.addi %add3A_1198, %add3A_1204 : vector<128x512xi32>
    %shift_left3A_1206 = arith.constant 17 : i32
    %shift_left3A_1207 = vector.broadcast %shift_left3A_1206 : i32 to vector<128x512xi32>
    %shift_left3A_1208 = arith.shli %add3A_1204, %shift_left3A_1207 : vector<128x512xi32>
    %shift_right_logical3A_1209 = arith.constant 15 : i32
    %shift_right_logical3A_1210 = vector.broadcast %shift_right_logical3A_1209 : i32 to vector<128x512xi32>
    %shift_right_logical3A_1211 = arith.shrui %add3A_1204, %shift_right_logical3A_1210 : vector<128x512xi32>
    %or3A_1212 = arith.ori %shift_left3A_1208, %shift_right_logical3A_1211 : vector<128x512xi32>
    %xor3A_1213 = arith.xori %add3A_1205, %or3A_1212 : vector<128x512xi32>
    %add3A_1214 = arith.addi %add3A_1205, %xor3A_1213 : vector<128x512xi32>
    %shift_left3A_1215 = arith.constant 29 : i32
    %shift_left3A_1216 = vector.broadcast %shift_left3A_1215 : i32 to vector<128x512xi32>
    %shift_left3A_1217 = arith.shli %xor3A_1213, %shift_left3A_1216 : vector<128x512xi32>
    %shift_right_logical3A_1218 = arith.constant 3 : i32
    %shift_right_logical3A_1219 = vector.broadcast %shift_right_logical3A_1218 : i32 to vector<128x512xi32>
    %shift_right_logical3A_1220 = arith.shrui %xor3A_1213, %shift_right_logical3A_1219 : vector<128x512xi32>
    %or3A_1221 = arith.ori %shift_left3A_1217, %shift_right_logical3A_1220 : vector<128x512xi32>
    %xor3A_1222 = arith.xori %add3A_1214, %or3A_1221 : vector<128x512xi32>
    %add3A_1223 = arith.addi %add3A_1214, %xor3A_1222 : vector<128x512xi32>
    %shift_left3A_1224 = arith.constant 16 : i32
    %shift_left3A_1225 = vector.broadcast %shift_left3A_1224 : i32 to vector<128x512xi32>
    %shift_left3A_1226 = arith.shli %xor3A_1222, %shift_left3A_1225 : vector<128x512xi32>
    %shift_right_logical3A_1227 = arith.constant 16 : i32
    %shift_right_logical3A_1228 = vector.broadcast %shift_right_logical3A_1227 : i32 to vector<128x512xi32>
    %shift_right_logical3A_1229 = arith.shrui %xor3A_1222, %shift_right_logical3A_1228 : vector<128x512xi32>
    %or3A_1230 = arith.ori %shift_left3A_1226, %shift_right_logical3A_1229 : vector<128x512xi32>
    %xor3A_1231 = arith.xori %add3A_1223, %or3A_1230 : vector<128x512xi32>
    %add3A_1232 = arith.addi %add3A_1223, %xor3A_1231 : vector<128x512xi32>
    %shift_left3A_1233 = arith.constant 24 : i32
    %shift_left3A_1234 = vector.broadcast %shift_left3A_1233 : i32 to vector<128x512xi32>
    %shift_left3A_1235 = arith.shli %xor3A_1231, %shift_left3A_1234 : vector<128x512xi32>
    %shift_right_logical3A_1236 = arith.constant 8 : i32
    %shift_right_logical3A_1237 = vector.broadcast %shift_right_logical3A_1236 : i32 to vector<128x512xi32>
    %shift_right_logical3A_1238 = arith.shrui %xor3A_1231, %shift_right_logical3A_1237 : vector<128x512xi32>
    %or3A_1239 = arith.ori %shift_left3A_1235, %shift_right_logical3A_1238 : vector<128x512xi32>
    %xor3A_1240 = arith.xori %add3A_1232, %or3A_1239 : vector<128x512xi32>
    %add3A_1241 = arith.constant 466689008 : i32
    %add3A_1242 = vector.broadcast %add3A_1241 : i32 to vector<128x512xi32>
    %add3A_1243 = arith.addi %add3A_1232, %add3A_1242 : vector<128x512xi32>
    %add3A_1244 = arith.constant 0 : i32
    %add3A_1245 = vector.broadcast %add3A_1244 : i32 to vector<128x512xi32>
    %add3A_1246 = arith.addi %xor3A_1240, %add3A_1245 : vector<128x512xi32>
    %add3A_1247 = arith.constant 2 : i32
    %add3A_1248 = vector.broadcast %add3A_1247 : i32 to vector<128x512xi32>
    %add3A_1249 = arith.addi %add3A_1246, %add3A_1248 : vector<128x512xi32>
    %add3A_1250 = arith.addi %add3A_1243, %add3A_1249 : vector<128x512xi32>
    %shift_left3A_1251 = arith.constant 13 : i32
    %shift_left3A_1252 = vector.broadcast %shift_left3A_1251 : i32 to vector<128x512xi32>
    %shift_left3A_1253 = arith.shli %add3A_1249, %shift_left3A_1252 : vector<128x512xi32>
    %shift_right_logical3A_1254 = arith.constant 19 : i32
    %shift_right_logical3A_1255 = vector.broadcast %shift_right_logical3A_1254 : i32 to vector<128x512xi32>
    %shift_right_logical3A_1256 = arith.shrui %add3A_1249, %shift_right_logical3A_1255 : vector<128x512xi32>
    %or3A_1257 = arith.ori %shift_left3A_1253, %shift_right_logical3A_1256 : vector<128x512xi32>
    %xor3A_1258 = arith.xori %add3A_1250, %or3A_1257 : vector<128x512xi32>
    %add3A_1259 = arith.addi %add3A_1250, %xor3A_1258 : vector<128x512xi32>
    %shift_left3A_1260 = arith.constant 15 : i32
    %shift_left3A_1261 = vector.broadcast %shift_left3A_1260 : i32 to vector<128x512xi32>
    %shift_left3A_1262 = arith.shli %xor3A_1258, %shift_left3A_1261 : vector<128x512xi32>
    %shift_right_logical3A_1263 = arith.constant 17 : i32
    %shift_right_logical3A_1264 = vector.broadcast %shift_right_logical3A_1263 : i32 to vector<128x512xi32>
    %shift_right_logical3A_1265 = arith.shrui %xor3A_1258, %shift_right_logical3A_1264 : vector<128x512xi32>
    %or3A_1266 = arith.ori %shift_left3A_1262, %shift_right_logical3A_1265 : vector<128x512xi32>
    %xor3A_1267 = arith.xori %add3A_1259, %or3A_1266 : vector<128x512xi32>
    %add3A_1268 = arith.addi %add3A_1259, %xor3A_1267 : vector<128x512xi32>
    %shift_left3A_1269 = arith.constant 26 : i32
    %shift_left3A_1270 = vector.broadcast %shift_left3A_1269 : i32 to vector<128x512xi32>
    %shift_left3A_1271 = arith.shli %xor3A_1267, %shift_left3A_1270 : vector<128x512xi32>
    %shift_right_logical3A_1272 = arith.constant 6 : i32
    %shift_right_logical3A_1273 = vector.broadcast %shift_right_logical3A_1272 : i32 to vector<128x512xi32>
    %shift_right_logical3A_1274 = arith.shrui %xor3A_1267, %shift_right_logical3A_1273 : vector<128x512xi32>
    %or3A_1275 = arith.ori %shift_left3A_1271, %shift_right_logical3A_1274 : vector<128x512xi32>
    %xor3A_1276 = arith.xori %add3A_1268, %or3A_1275 : vector<128x512xi32>
    %add3A_1277 = arith.addi %add3A_1268, %xor3A_1276 : vector<128x512xi32>
    %shift_left3A_1278 = arith.constant 6 : i32
    %shift_left3A_1279 = vector.broadcast %shift_left3A_1278 : i32 to vector<128x512xi32>
    %shift_left3A_1280 = arith.shli %xor3A_1276, %shift_left3A_1279 : vector<128x512xi32>
    %shift_right_logical3A_1281 = arith.constant 26 : i32
    %shift_right_logical3A_1282 = vector.broadcast %shift_right_logical3A_1281 : i32 to vector<128x512xi32>
    %shift_right_logical3A_1283 = arith.shrui %xor3A_1276, %shift_right_logical3A_1282 : vector<128x512xi32>
    %or3A_1284 = arith.ori %shift_left3A_1280, %shift_right_logical3A_1283 : vector<128x512xi32>
    %xor3A_1285 = arith.xori %add3A_1277, %or3A_1284 : vector<128x512xi32>
    %add3A_1286 = arith.constant 0 : i32
    %add3A_1287 = vector.broadcast %add3A_1286 : i32 to vector<128x512xi32>
    %add3A_1288 = arith.addi %add3A_1277, %add3A_1287 : vector<128x512xi32>
    %add3A_1289 = arith.constant 42 : i32
    %add3A_1290 = vector.broadcast %add3A_1289 : i32 to vector<128x512xi32>
    %add3A_1291 = arith.addi %xor3A_1285, %add3A_1290 : vector<128x512xi32>
    %add3A_1292 = arith.constant 3 : i32
    %add3A_1293 = vector.broadcast %add3A_1292 : i32 to vector<128x512xi32>
    %add3A_1294 = arith.addi %add3A_1291, %add3A_1293 : vector<128x512xi32>
    %add3A_1295 = arith.addi %add3A_1288, %add3A_1294 : vector<128x512xi32>
    %shift_left3A_1296 = arith.constant 17 : i32
    %shift_left3A_1297 = vector.broadcast %shift_left3A_1296 : i32 to vector<128x512xi32>
    %shift_left3A_1298 = arith.shli %add3A_1294, %shift_left3A_1297 : vector<128x512xi32>
    %shift_right_logical3A_1299 = arith.constant 15 : i32
    %shift_right_logical3A_1300 = vector.broadcast %shift_right_logical3A_1299 : i32 to vector<128x512xi32>
    %shift_right_logical3A_1301 = arith.shrui %add3A_1294, %shift_right_logical3A_1300 : vector<128x512xi32>
    %or3A_1302 = arith.ori %shift_left3A_1298, %shift_right_logical3A_1301 : vector<128x512xi32>
    %xor3A_1303 = arith.xori %add3A_1295, %or3A_1302 : vector<128x512xi32>
    %add3A_1304 = arith.addi %add3A_1295, %xor3A_1303 : vector<128x512xi32>
    %shift_left3A_1305 = arith.constant 29 : i32
    %shift_left3A_1306 = vector.broadcast %shift_left3A_1305 : i32 to vector<128x512xi32>
    %shift_left3A_1307 = arith.shli %xor3A_1303, %shift_left3A_1306 : vector<128x512xi32>
    %shift_right_logical3A_1308 = arith.constant 3 : i32
    %shift_right_logical3A_1309 = vector.broadcast %shift_right_logical3A_1308 : i32 to vector<128x512xi32>
    %shift_right_logical3A_1310 = arith.shrui %xor3A_1303, %shift_right_logical3A_1309 : vector<128x512xi32>
    %or3A_1311 = arith.ori %shift_left3A_1307, %shift_right_logical3A_1310 : vector<128x512xi32>
    %xor3A_1312 = arith.xori %add3A_1304, %or3A_1311 : vector<128x512xi32>
    %add3A_1313 = arith.addi %add3A_1304, %xor3A_1312 : vector<128x512xi32>
    %shift_left3A_1314 = arith.constant 16 : i32
    %shift_left3A_1315 = vector.broadcast %shift_left3A_1314 : i32 to vector<128x512xi32>
    %shift_left3A_1316 = arith.shli %xor3A_1312, %shift_left3A_1315 : vector<128x512xi32>
    %shift_right_logical3A_1317 = arith.constant 16 : i32
    %shift_right_logical3A_1318 = vector.broadcast %shift_right_logical3A_1317 : i32 to vector<128x512xi32>
    %shift_right_logical3A_1319 = arith.shrui %xor3A_1312, %shift_right_logical3A_1318 : vector<128x512xi32>
    %or3A_1320 = arith.ori %shift_left3A_1316, %shift_right_logical3A_1319 : vector<128x512xi32>
    %xor3A_1321 = arith.xori %add3A_1313, %or3A_1320 : vector<128x512xi32>
    %add3A_1322 = arith.addi %add3A_1313, %xor3A_1321 : vector<128x512xi32>
    %shift_left3A_1323 = arith.constant 24 : i32
    %shift_left3A_1324 = vector.broadcast %shift_left3A_1323 : i32 to vector<128x512xi32>
    %shift_left3A_1325 = arith.shli %xor3A_1321, %shift_left3A_1324 : vector<128x512xi32>
    %shift_right_logical3A_1326 = arith.constant 8 : i32
    %shift_right_logical3A_1327 = vector.broadcast %shift_right_logical3A_1326 : i32 to vector<128x512xi32>
    %shift_right_logical3A_1328 = arith.shrui %xor3A_1321, %shift_right_logical3A_1327 : vector<128x512xi32>
    %or3A_1329 = arith.ori %shift_left3A_1325, %shift_right_logical3A_1328 : vector<128x512xi32>
    %xor3A_1330 = arith.xori %add3A_1322, %or3A_1329 : vector<128x512xi32>
    %add3A_1331 = arith.constant 42 : i32
    %add3A_1332 = vector.broadcast %add3A_1331 : i32 to vector<128x512xi32>
    %add3A_1333 = arith.addi %add3A_1322, %add3A_1332 : vector<128x512xi32>
    %add3A_1334 = arith.constant 466689008 : i32
    %add3A_1335 = vector.broadcast %add3A_1334 : i32 to vector<128x512xi32>
    %add3A_1336 = arith.addi %xor3A_1330, %add3A_1335 : vector<128x512xi32>
    %add3A_1337 = arith.constant 4 : i32
    %add3A_1338 = vector.broadcast %add3A_1337 : i32 to vector<128x512xi32>
    %add3A_1339 = arith.addi %add3A_1336, %add3A_1338 : vector<128x512xi32>
    %add3A_1340 = arith.addi %add3A_1333, %add3A_1339 : vector<128x512xi32>
    %shift_left3A_1341 = arith.constant 13 : i32
    %shift_left3A_1342 = vector.broadcast %shift_left3A_1341 : i32 to vector<128x512xi32>
    %shift_left3A_1343 = arith.shli %add3A_1339, %shift_left3A_1342 : vector<128x512xi32>
    %shift_right_logical3A_1344 = arith.constant 19 : i32
    %shift_right_logical3A_1345 = vector.broadcast %shift_right_logical3A_1344 : i32 to vector<128x512xi32>
    %shift_right_logical3A_1346 = arith.shrui %add3A_1339, %shift_right_logical3A_1345 : vector<128x512xi32>
    %or3A_1347 = arith.ori %shift_left3A_1343, %shift_right_logical3A_1346 : vector<128x512xi32>
    %xor3A_1348 = arith.xori %add3A_1340, %or3A_1347 : vector<128x512xi32>
    %add3A_1349 = arith.addi %add3A_1340, %xor3A_1348 : vector<128x512xi32>
    %shift_left3A_1350 = arith.constant 15 : i32
    %shift_left3A_1351 = vector.broadcast %shift_left3A_1350 : i32 to vector<128x512xi32>
    %shift_left3A_1352 = arith.shli %xor3A_1348, %shift_left3A_1351 : vector<128x512xi32>
    %shift_right_logical3A_1353 = arith.constant 17 : i32
    %shift_right_logical3A_1354 = vector.broadcast %shift_right_logical3A_1353 : i32 to vector<128x512xi32>
    %shift_right_logical3A_1355 = arith.shrui %xor3A_1348, %shift_right_logical3A_1354 : vector<128x512xi32>
    %or3A_1356 = arith.ori %shift_left3A_1352, %shift_right_logical3A_1355 : vector<128x512xi32>
    %xor3A_1357 = arith.xori %add3A_1349, %or3A_1356 : vector<128x512xi32>
    %add3A_1358 = arith.addi %add3A_1349, %xor3A_1357 : vector<128x512xi32>
    %shift_left3A_1359 = arith.constant 26 : i32
    %shift_left3A_1360 = vector.broadcast %shift_left3A_1359 : i32 to vector<128x512xi32>
    %shift_left3A_1361 = arith.shli %xor3A_1357, %shift_left3A_1360 : vector<128x512xi32>
    %shift_right_logical3A_1362 = arith.constant 6 : i32
    %shift_right_logical3A_1363 = vector.broadcast %shift_right_logical3A_1362 : i32 to vector<128x512xi32>
    %shift_right_logical3A_1364 = arith.shrui %xor3A_1357, %shift_right_logical3A_1363 : vector<128x512xi32>
    %or3A_1365 = arith.ori %shift_left3A_1361, %shift_right_logical3A_1364 : vector<128x512xi32>
    %xor3A_1366 = arith.xori %add3A_1358, %or3A_1365 : vector<128x512xi32>
    %add3A_1367 = arith.addi %add3A_1358, %xor3A_1366 : vector<128x512xi32>
    %shift_left3A_1368 = arith.constant 6 : i32
    %shift_left3A_1369 = vector.broadcast %shift_left3A_1368 : i32 to vector<128x512xi32>
    %shift_left3A_1370 = arith.shli %xor3A_1366, %shift_left3A_1369 : vector<128x512xi32>
    %shift_right_logical3A_1371 = arith.constant 26 : i32
    %shift_right_logical3A_1372 = vector.broadcast %shift_right_logical3A_1371 : i32 to vector<128x512xi32>
    %shift_right_logical3A_1373 = arith.shrui %xor3A_1366, %shift_right_logical3A_1372 : vector<128x512xi32>
    %or3A_1374 = arith.ori %shift_left3A_1370, %shift_right_logical3A_1373 : vector<128x512xi32>
    %xor3A_1375 = arith.xori %add3A_1367, %or3A_1374 : vector<128x512xi32>
    %add3A_1376 = arith.constant 466689008 : i32
    %add3A_1377 = vector.broadcast %add3A_1376 : i32 to vector<128x512xi32>
    %add3A_1378 = arith.addi %add3A_1367, %add3A_1377 : vector<128x512xi32>
    %add3A_1379 = arith.constant 0 : i32
    %add3A_1380 = vector.broadcast %add3A_1379 : i32 to vector<128x512xi32>
    %add3A_1381 = arith.addi %xor3A_1375, %add3A_1380 : vector<128x512xi32>
    %add3A_1382 = arith.constant 5 : i32
    %add3A_1383 = vector.broadcast %add3A_1382 : i32 to vector<128x512xi32>
    %add3A_1384 = arith.addi %add3A_1381, %add3A_1383 : vector<128x512xi32>
    %xor3A_1385 = arith.xori %add3A_1378, %add3A_1384 : vector<128x512xi32>
    %shift_right_logical3A_1386 = arith.constant 9 : i32
    %shift_right_logical3A_1387 = vector.broadcast %shift_right_logical3A_1386 : i32 to vector<128x512xi32>
    %shift_right_logical3A_1388 = arith.shrui %xor3A_1385, %shift_right_logical3A_1387 : vector<128x512xi32>
    %or3A_1389 = arith.constant 1065353216 : i32
    %or3A_1390 = vector.broadcast %or3A_1389 : i32 to vector<128x512xi32>
    %or3A_1391 = arith.ori %shift_right_logical3A_1388, %or3A_1390 : vector<128x512xi32>
    %bitcast_convert_type3A_1392 = tpu.bitcast %or3A_1391 : vector<128x512xi32> -> vector<128x512xf32>
    %sub3A_1393 = arith.constant 1.000000e+00 : f32
    %sub3A_1394 = vector.broadcast %sub3A_1393 : f32 to vector<128x512xf32>
    %sub3A_1395 = arith.subf %bitcast_convert_type3A_1392, %sub3A_1394 : vector<128x512xf32>
    %add3A_1396 = arith.constant 9.99999968E-21 : f32
    %add3A_1397 = vector.broadcast %add3A_1396 : f32 to vector<128x512xf32>
    %add3A_1398 = arith.addf %sub3A_1395, %add3A_1397 : vector<128x512xf32>
    %log3A_1399 = math.log %add3A_1398 : vector<128x512xf32>
    %neg3A_1400 = arith.constant 0.000000e+00 : f32
    %neg3A_1401 = vector.broadcast %neg3A_1400 : f32 to vector<128x512xf32>
    %neg3A_1402 = arith.subf %neg3A_1401, %log3A_1399 : vector<128x512xf32>
    %add3A_1403 = arith.constant 9.99999968E-21 : f32
    %add3A_1404 = vector.broadcast %add3A_1403 : f32 to vector<128x512xf32>
    %add3A_1405 = arith.addf %neg3A_1402, %add3A_1404 : vector<128x512xf32>
    %log3A_1406 = math.log %add3A_1405 : vector<128x512xf32>
    %neg3A_1407 = arith.constant 0.000000e+00 : f32
    %neg3A_1408 = vector.broadcast %neg3A_1407 : f32 to vector<128x512xf32>
    %neg3A_1409 = arith.subf %neg3A_1408, %log3A_1406 : vector<128x512xf32>
    %add3A_1410 = arith.addf %get3A_1145, %neg3A_1409 : vector<128x512xf32>
    %lt3A_1411 = arith.constant 100000 : i32
    %lt3A_1412 = vector.broadcast %lt3A_1411 : i32 to vector<128x512xi32>
    %lt3A_1413 = arith.cmpi slt, %add3A_1148, %lt3A_1412 : vector<128x512xi32>
    %jit3A_1414 = arith.constant 0xFF800000 : f32
    %broadcast_in_dim3A_1415 = vector.broadcast %jit3A_1414 : f32 to vector<128x512xf32>
    %select_n3A_1416 = arith.select %lt3A_1413, %add3A_1410, %broadcast_in_dim3A_1415 : vector<128x512xi1>, vector<128x512xf32>
    %reduce_max3A_1417 = arith.constant dense<0xFF800000> : vector<128xf32>
    %reduce_max3A_1418 = vector.multi_reduction <maximumf>, %select_n3A_1416, %reduce_max3A_1417 [1] : vector<128x512xf32> to vector<128xf32>
    %broadcast_in_dim3A_1419 = vector.shape_cast %reduce_max3A_1418 : vector<128xf32> to vector<128x1xf32>
    %eq3A_1420 = vector.broadcast %broadcast_in_dim3A_1419 : vector<128x1xf32> to vector<128x512xf32>
    %eq3A_1421 = arith.cmpf oeq, %select_n3A_1416, %eq3A_1420 : vector<128x512xf32>
    %jit3A_1422 = arith.constant 2147483647 : i32
    %broadcast_in_dim3A_1423 = vector.broadcast %jit3A_1422 : i32 to vector<128x512xi32>
    %select_n3A_1424 = arith.select %eq3A_1421, %add3A_1148, %broadcast_in_dim3A_1423 : vector<128x512xi1>, vector<128x512xi32>
    %reduce_min3A_1425 = arith.constant dense<2147483647> : vector<128xi32>
    %reduce_min3A_1426 = vector.multi_reduction <minsi>, %select_n3A_1424, %reduce_min3A_1425 [1] : vector<128x512xi32> to vector<128xi32>
    %broadcast_in_dim3A_1427 = vector.shape_cast %reduce_min3A_1426 : vector<128xi32> to vector<128x1xi32>
    %gt3A_1428 = arith.cmpf ogt, %broadcast_in_dim3A_1419, %select_n3A_1141 : vector<128x1xf32>
    %select_n3A_1429 = arith.select %gt3A_1428, %broadcast_in_dim3A_1419, %select_n3A_1141 : vector<128x1xi1>, vector<128x1xf32>
    %select_n3A_1430 = arith.select %gt3A_1428, %broadcast_in_dim3A_1427, %select_n3A_1142 : vector<128x1xi1>, vector<128x1xi32>
    %get3A_1431 = arith.constant 0 : index
    %get3A_1432 = arith.constant 2560 : index
    %get3A_1433 = vector.load %arg1[%get3A_1431, %get3A_1432] : memref<128x4096xf32, #tpu.memory_space<vmem>>, vector<128x512xf32>
    %add3A_1434 = arith.constant 2560 : i32
    %add3A_1435 = vector.broadcast %add3A_1434 : i32 to vector<128x512xi32>
    %add3A_1436 = arith.addi %add3A_4, %add3A_1435 : vector<128x512xi32>
    %add3A_1437 = arith.constant 2560 : i32
    %add3A_1438 = vector.broadcast %add3A_1437 : i32 to vector<128x512xi32>
    %add3A_1439 = arith.addi %add3A_9, %add3A_1438 : vector<128x512xi32>
    %broadcast_in_dim3A_1440 = arith.constant 0 : i32
    %broadcast_in_dim3A_1441 = vector.broadcast %broadcast_in_dim3A_1440 : i32 to vector<128x512xi32>
    %add3A_1442 = arith.constant 0 : i32
    %add3A_1443 = vector.broadcast %add3A_1442 : i32 to vector<128x512xi32>
    %add3A_1444 = arith.addi %broadcast_in_dim3A_1441, %add3A_1443 : vector<128x512xi32>
    %add3A_1445 = arith.constant 42 : i32
    %add3A_1446 = vector.broadcast %add3A_1445 : i32 to vector<128x512xi32>
    %add3A_1447 = arith.addi %add3A_1439, %add3A_1446 : vector<128x512xi32>
    %add3A_1448 = arith.addi %add3A_1444, %add3A_1447 : vector<128x512xi32>
    %shift_left3A_1449 = arith.constant 13 : i32
    %shift_left3A_1450 = vector.broadcast %shift_left3A_1449 : i32 to vector<128x512xi32>
    %shift_left3A_1451 = arith.shli %add3A_1447, %shift_left3A_1450 : vector<128x512xi32>
    %shift_right_logical3A_1452 = arith.constant 19 : i32
    %shift_right_logical3A_1453 = vector.broadcast %shift_right_logical3A_1452 : i32 to vector<128x512xi32>
    %shift_right_logical3A_1454 = arith.shrui %add3A_1447, %shift_right_logical3A_1453 : vector<128x512xi32>
    %or3A_1455 = arith.ori %shift_left3A_1451, %shift_right_logical3A_1454 : vector<128x512xi32>
    %xor3A_1456 = arith.xori %add3A_1448, %or3A_1455 : vector<128x512xi32>
    %add3A_1457 = arith.addi %add3A_1448, %xor3A_1456 : vector<128x512xi32>
    %shift_left3A_1458 = arith.constant 15 : i32
    %shift_left3A_1459 = vector.broadcast %shift_left3A_1458 : i32 to vector<128x512xi32>
    %shift_left3A_1460 = arith.shli %xor3A_1456, %shift_left3A_1459 : vector<128x512xi32>
    %shift_right_logical3A_1461 = arith.constant 17 : i32
    %shift_right_logical3A_1462 = vector.broadcast %shift_right_logical3A_1461 : i32 to vector<128x512xi32>
    %shift_right_logical3A_1463 = arith.shrui %xor3A_1456, %shift_right_logical3A_1462 : vector<128x512xi32>
    %or3A_1464 = arith.ori %shift_left3A_1460, %shift_right_logical3A_1463 : vector<128x512xi32>
    %xor3A_1465 = arith.xori %add3A_1457, %or3A_1464 : vector<128x512xi32>
    %add3A_1466 = arith.addi %add3A_1457, %xor3A_1465 : vector<128x512xi32>
    %shift_left3A_1467 = arith.constant 26 : i32
    %shift_left3A_1468 = vector.broadcast %shift_left3A_1467 : i32 to vector<128x512xi32>
    %shift_left3A_1469 = arith.shli %xor3A_1465, %shift_left3A_1468 : vector<128x512xi32>
    %shift_right_logical3A_1470 = arith.constant 6 : i32
    %shift_right_logical3A_1471 = vector.broadcast %shift_right_logical3A_1470 : i32 to vector<128x512xi32>
    %shift_right_logical3A_1472 = arith.shrui %xor3A_1465, %shift_right_logical3A_1471 : vector<128x512xi32>
    %or3A_1473 = arith.ori %shift_left3A_1469, %shift_right_logical3A_1472 : vector<128x512xi32>
    %xor3A_1474 = arith.xori %add3A_1466, %or3A_1473 : vector<128x512xi32>
    %add3A_1475 = arith.addi %add3A_1466, %xor3A_1474 : vector<128x512xi32>
    %shift_left3A_1476 = arith.constant 6 : i32
    %shift_left3A_1477 = vector.broadcast %shift_left3A_1476 : i32 to vector<128x512xi32>
    %shift_left3A_1478 = arith.shli %xor3A_1474, %shift_left3A_1477 : vector<128x512xi32>
    %shift_right_logical3A_1479 = arith.constant 26 : i32
    %shift_right_logical3A_1480 = vector.broadcast %shift_right_logical3A_1479 : i32 to vector<128x512xi32>
    %shift_right_logical3A_1481 = arith.shrui %xor3A_1474, %shift_right_logical3A_1480 : vector<128x512xi32>
    %or3A_1482 = arith.ori %shift_left3A_1478, %shift_right_logical3A_1481 : vector<128x512xi32>
    %xor3A_1483 = arith.xori %add3A_1475, %or3A_1482 : vector<128x512xi32>
    %add3A_1484 = arith.constant 42 : i32
    %add3A_1485 = vector.broadcast %add3A_1484 : i32 to vector<128x512xi32>
    %add3A_1486 = arith.addi %add3A_1475, %add3A_1485 : vector<128x512xi32>
    %add3A_1487 = arith.constant 466689008 : i32
    %add3A_1488 = vector.broadcast %add3A_1487 : i32 to vector<128x512xi32>
    %add3A_1489 = arith.addi %xor3A_1483, %add3A_1488 : vector<128x512xi32>
    %add3A_1490 = arith.constant 1 : i32
    %add3A_1491 = vector.broadcast %add3A_1490 : i32 to vector<128x512xi32>
    %add3A_1492 = arith.addi %add3A_1489, %add3A_1491 : vector<128x512xi32>
    %add3A_1493 = arith.addi %add3A_1486, %add3A_1492 : vector<128x512xi32>
    %shift_left3A_1494 = arith.constant 17 : i32
    %shift_left3A_1495 = vector.broadcast %shift_left3A_1494 : i32 to vector<128x512xi32>
    %shift_left3A_1496 = arith.shli %add3A_1492, %shift_left3A_1495 : vector<128x512xi32>
    %shift_right_logical3A_1497 = arith.constant 15 : i32
    %shift_right_logical3A_1498 = vector.broadcast %shift_right_logical3A_1497 : i32 to vector<128x512xi32>
    %shift_right_logical3A_1499 = arith.shrui %add3A_1492, %shift_right_logical3A_1498 : vector<128x512xi32>
    %or3A_1500 = arith.ori %shift_left3A_1496, %shift_right_logical3A_1499 : vector<128x512xi32>
    %xor3A_1501 = arith.xori %add3A_1493, %or3A_1500 : vector<128x512xi32>
    %add3A_1502 = arith.addi %add3A_1493, %xor3A_1501 : vector<128x512xi32>
    %shift_left3A_1503 = arith.constant 29 : i32
    %shift_left3A_1504 = vector.broadcast %shift_left3A_1503 : i32 to vector<128x512xi32>
    %shift_left3A_1505 = arith.shli %xor3A_1501, %shift_left3A_1504 : vector<128x512xi32>
    %shift_right_logical3A_1506 = arith.constant 3 : i32
    %shift_right_logical3A_1507 = vector.broadcast %shift_right_logical3A_1506 : i32 to vector<128x512xi32>
    %shift_right_logical3A_1508 = arith.shrui %xor3A_1501, %shift_right_logical3A_1507 : vector<128x512xi32>
    %or3A_1509 = arith.ori %shift_left3A_1505, %shift_right_logical3A_1508 : vector<128x512xi32>
    %xor3A_1510 = arith.xori %add3A_1502, %or3A_1509 : vector<128x512xi32>
    %add3A_1511 = arith.addi %add3A_1502, %xor3A_1510 : vector<128x512xi32>
    %shift_left3A_1512 = arith.constant 16 : i32
    %shift_left3A_1513 = vector.broadcast %shift_left3A_1512 : i32 to vector<128x512xi32>
    %shift_left3A_1514 = arith.shli %xor3A_1510, %shift_left3A_1513 : vector<128x512xi32>
    %shift_right_logical3A_1515 = arith.constant 16 : i32
    %shift_right_logical3A_1516 = vector.broadcast %shift_right_logical3A_1515 : i32 to vector<128x512xi32>
    %shift_right_logical3A_1517 = arith.shrui %xor3A_1510, %shift_right_logical3A_1516 : vector<128x512xi32>
    %or3A_1518 = arith.ori %shift_left3A_1514, %shift_right_logical3A_1517 : vector<128x512xi32>
    %xor3A_1519 = arith.xori %add3A_1511, %or3A_1518 : vector<128x512xi32>
    %add3A_1520 = arith.addi %add3A_1511, %xor3A_1519 : vector<128x512xi32>
    %shift_left3A_1521 = arith.constant 24 : i32
    %shift_left3A_1522 = vector.broadcast %shift_left3A_1521 : i32 to vector<128x512xi32>
    %shift_left3A_1523 = arith.shli %xor3A_1519, %shift_left3A_1522 : vector<128x512xi32>
    %shift_right_logical3A_1524 = arith.constant 8 : i32
    %shift_right_logical3A_1525 = vector.broadcast %shift_right_logical3A_1524 : i32 to vector<128x512xi32>
    %shift_right_logical3A_1526 = arith.shrui %xor3A_1519, %shift_right_logical3A_1525 : vector<128x512xi32>
    %or3A_1527 = arith.ori %shift_left3A_1523, %shift_right_logical3A_1526 : vector<128x512xi32>
    %xor3A_1528 = arith.xori %add3A_1520, %or3A_1527 : vector<128x512xi32>
    %add3A_1529 = arith.constant 466689008 : i32
    %add3A_1530 = vector.broadcast %add3A_1529 : i32 to vector<128x512xi32>
    %add3A_1531 = arith.addi %add3A_1520, %add3A_1530 : vector<128x512xi32>
    %add3A_1532 = arith.constant 0 : i32
    %add3A_1533 = vector.broadcast %add3A_1532 : i32 to vector<128x512xi32>
    %add3A_1534 = arith.addi %xor3A_1528, %add3A_1533 : vector<128x512xi32>
    %add3A_1535 = arith.constant 2 : i32
    %add3A_1536 = vector.broadcast %add3A_1535 : i32 to vector<128x512xi32>
    %add3A_1537 = arith.addi %add3A_1534, %add3A_1536 : vector<128x512xi32>
    %add3A_1538 = arith.addi %add3A_1531, %add3A_1537 : vector<128x512xi32>
    %shift_left3A_1539 = arith.constant 13 : i32
    %shift_left3A_1540 = vector.broadcast %shift_left3A_1539 : i32 to vector<128x512xi32>
    %shift_left3A_1541 = arith.shli %add3A_1537, %shift_left3A_1540 : vector<128x512xi32>
    %shift_right_logical3A_1542 = arith.constant 19 : i32
    %shift_right_logical3A_1543 = vector.broadcast %shift_right_logical3A_1542 : i32 to vector<128x512xi32>
    %shift_right_logical3A_1544 = arith.shrui %add3A_1537, %shift_right_logical3A_1543 : vector<128x512xi32>
    %or3A_1545 = arith.ori %shift_left3A_1541, %shift_right_logical3A_1544 : vector<128x512xi32>
    %xor3A_1546 = arith.xori %add3A_1538, %or3A_1545 : vector<128x512xi32>
    %add3A_1547 = arith.addi %add3A_1538, %xor3A_1546 : vector<128x512xi32>
    %shift_left3A_1548 = arith.constant 15 : i32
    %shift_left3A_1549 = vector.broadcast %shift_left3A_1548 : i32 to vector<128x512xi32>
    %shift_left3A_1550 = arith.shli %xor3A_1546, %shift_left3A_1549 : vector<128x512xi32>
    %shift_right_logical3A_1551 = arith.constant 17 : i32
    %shift_right_logical3A_1552 = vector.broadcast %shift_right_logical3A_1551 : i32 to vector<128x512xi32>
    %shift_right_logical3A_1553 = arith.shrui %xor3A_1546, %shift_right_logical3A_1552 : vector<128x512xi32>
    %or3A_1554 = arith.ori %shift_left3A_1550, %shift_right_logical3A_1553 : vector<128x512xi32>
    %xor3A_1555 = arith.xori %add3A_1547, %or3A_1554 : vector<128x512xi32>
    %add3A_1556 = arith.addi %add3A_1547, %xor3A_1555 : vector<128x512xi32>
    %shift_left3A_1557 = arith.constant 26 : i32
    %shift_left3A_1558 = vector.broadcast %shift_left3A_1557 : i32 to vector<128x512xi32>
    %shift_left3A_1559 = arith.shli %xor3A_1555, %shift_left3A_1558 : vector<128x512xi32>
    %shift_right_logical3A_1560 = arith.constant 6 : i32
    %shift_right_logical3A_1561 = vector.broadcast %shift_right_logical3A_1560 : i32 to vector<128x512xi32>
    %shift_right_logical3A_1562 = arith.shrui %xor3A_1555, %shift_right_logical3A_1561 : vector<128x512xi32>
    %or3A_1563 = arith.ori %shift_left3A_1559, %shift_right_logical3A_1562 : vector<128x512xi32>
    %xor3A_1564 = arith.xori %add3A_1556, %or3A_1563 : vector<128x512xi32>
    %add3A_1565 = arith.addi %add3A_1556, %xor3A_1564 : vector<128x512xi32>
    %shift_left3A_1566 = arith.constant 6 : i32
    %shift_left3A_1567 = vector.broadcast %shift_left3A_1566 : i32 to vector<128x512xi32>
    %shift_left3A_1568 = arith.shli %xor3A_1564, %shift_left3A_1567 : vector<128x512xi32>
    %shift_right_logical3A_1569 = arith.constant 26 : i32
    %shift_right_logical3A_1570 = vector.broadcast %shift_right_logical3A_1569 : i32 to vector<128x512xi32>
    %shift_right_logical3A_1571 = arith.shrui %xor3A_1564, %shift_right_logical3A_1570 : vector<128x512xi32>
    %or3A_1572 = arith.ori %shift_left3A_1568, %shift_right_logical3A_1571 : vector<128x512xi32>
    %xor3A_1573 = arith.xori %add3A_1565, %or3A_1572 : vector<128x512xi32>
    %add3A_1574 = arith.constant 0 : i32
    %add3A_1575 = vector.broadcast %add3A_1574 : i32 to vector<128x512xi32>
    %add3A_1576 = arith.addi %add3A_1565, %add3A_1575 : vector<128x512xi32>
    %add3A_1577 = arith.constant 42 : i32
    %add3A_1578 = vector.broadcast %add3A_1577 : i32 to vector<128x512xi32>
    %add3A_1579 = arith.addi %xor3A_1573, %add3A_1578 : vector<128x512xi32>
    %add3A_1580 = arith.constant 3 : i32
    %add3A_1581 = vector.broadcast %add3A_1580 : i32 to vector<128x512xi32>
    %add3A_1582 = arith.addi %add3A_1579, %add3A_1581 : vector<128x512xi32>
    %add3A_1583 = arith.addi %add3A_1576, %add3A_1582 : vector<128x512xi32>
    %shift_left3A_1584 = arith.constant 17 : i32
    %shift_left3A_1585 = vector.broadcast %shift_left3A_1584 : i32 to vector<128x512xi32>
    %shift_left3A_1586 = arith.shli %add3A_1582, %shift_left3A_1585 : vector<128x512xi32>
    %shift_right_logical3A_1587 = arith.constant 15 : i32
    %shift_right_logical3A_1588 = vector.broadcast %shift_right_logical3A_1587 : i32 to vector<128x512xi32>
    %shift_right_logical3A_1589 = arith.shrui %add3A_1582, %shift_right_logical3A_1588 : vector<128x512xi32>
    %or3A_1590 = arith.ori %shift_left3A_1586, %shift_right_logical3A_1589 : vector<128x512xi32>
    %xor3A_1591 = arith.xori %add3A_1583, %or3A_1590 : vector<128x512xi32>
    %add3A_1592 = arith.addi %add3A_1583, %xor3A_1591 : vector<128x512xi32>
    %shift_left3A_1593 = arith.constant 29 : i32
    %shift_left3A_1594 = vector.broadcast %shift_left3A_1593 : i32 to vector<128x512xi32>
    %shift_left3A_1595 = arith.shli %xor3A_1591, %shift_left3A_1594 : vector<128x512xi32>
    %shift_right_logical3A_1596 = arith.constant 3 : i32
    %shift_right_logical3A_1597 = vector.broadcast %shift_right_logical3A_1596 : i32 to vector<128x512xi32>
    %shift_right_logical3A_1598 = arith.shrui %xor3A_1591, %shift_right_logical3A_1597 : vector<128x512xi32>
    %or3A_1599 = arith.ori %shift_left3A_1595, %shift_right_logical3A_1598 : vector<128x512xi32>
    %xor3A_1600 = arith.xori %add3A_1592, %or3A_1599 : vector<128x512xi32>
    %add3A_1601 = arith.addi %add3A_1592, %xor3A_1600 : vector<128x512xi32>
    %shift_left3A_1602 = arith.constant 16 : i32
    %shift_left3A_1603 = vector.broadcast %shift_left3A_1602 : i32 to vector<128x512xi32>
    %shift_left3A_1604 = arith.shli %xor3A_1600, %shift_left3A_1603 : vector<128x512xi32>
    %shift_right_logical3A_1605 = arith.constant 16 : i32
    %shift_right_logical3A_1606 = vector.broadcast %shift_right_logical3A_1605 : i32 to vector<128x512xi32>
    %shift_right_logical3A_1607 = arith.shrui %xor3A_1600, %shift_right_logical3A_1606 : vector<128x512xi32>
    %or3A_1608 = arith.ori %shift_left3A_1604, %shift_right_logical3A_1607 : vector<128x512xi32>
    %xor3A_1609 = arith.xori %add3A_1601, %or3A_1608 : vector<128x512xi32>
    %add3A_1610 = arith.addi %add3A_1601, %xor3A_1609 : vector<128x512xi32>
    %shift_left3A_1611 = arith.constant 24 : i32
    %shift_left3A_1612 = vector.broadcast %shift_left3A_1611 : i32 to vector<128x512xi32>
    %shift_left3A_1613 = arith.shli %xor3A_1609, %shift_left3A_1612 : vector<128x512xi32>
    %shift_right_logical3A_1614 = arith.constant 8 : i32
    %shift_right_logical3A_1615 = vector.broadcast %shift_right_logical3A_1614 : i32 to vector<128x512xi32>
    %shift_right_logical3A_1616 = arith.shrui %xor3A_1609, %shift_right_logical3A_1615 : vector<128x512xi32>
    %or3A_1617 = arith.ori %shift_left3A_1613, %shift_right_logical3A_1616 : vector<128x512xi32>
    %xor3A_1618 = arith.xori %add3A_1610, %or3A_1617 : vector<128x512xi32>
    %add3A_1619 = arith.constant 42 : i32
    %add3A_1620 = vector.broadcast %add3A_1619 : i32 to vector<128x512xi32>
    %add3A_1621 = arith.addi %add3A_1610, %add3A_1620 : vector<128x512xi32>
    %add3A_1622 = arith.constant 466689008 : i32
    %add3A_1623 = vector.broadcast %add3A_1622 : i32 to vector<128x512xi32>
    %add3A_1624 = arith.addi %xor3A_1618, %add3A_1623 : vector<128x512xi32>
    %add3A_1625 = arith.constant 4 : i32
    %add3A_1626 = vector.broadcast %add3A_1625 : i32 to vector<128x512xi32>
    %add3A_1627 = arith.addi %add3A_1624, %add3A_1626 : vector<128x512xi32>
    %add3A_1628 = arith.addi %add3A_1621, %add3A_1627 : vector<128x512xi32>
    %shift_left3A_1629 = arith.constant 13 : i32
    %shift_left3A_1630 = vector.broadcast %shift_left3A_1629 : i32 to vector<128x512xi32>
    %shift_left3A_1631 = arith.shli %add3A_1627, %shift_left3A_1630 : vector<128x512xi32>
    %shift_right_logical3A_1632 = arith.constant 19 : i32
    %shift_right_logical3A_1633 = vector.broadcast %shift_right_logical3A_1632 : i32 to vector<128x512xi32>
    %shift_right_logical3A_1634 = arith.shrui %add3A_1627, %shift_right_logical3A_1633 : vector<128x512xi32>
    %or3A_1635 = arith.ori %shift_left3A_1631, %shift_right_logical3A_1634 : vector<128x512xi32>
    %xor3A_1636 = arith.xori %add3A_1628, %or3A_1635 : vector<128x512xi32>
    %add3A_1637 = arith.addi %add3A_1628, %xor3A_1636 : vector<128x512xi32>
    %shift_left3A_1638 = arith.constant 15 : i32
    %shift_left3A_1639 = vector.broadcast %shift_left3A_1638 : i32 to vector<128x512xi32>
    %shift_left3A_1640 = arith.shli %xor3A_1636, %shift_left3A_1639 : vector<128x512xi32>
    %shift_right_logical3A_1641 = arith.constant 17 : i32
    %shift_right_logical3A_1642 = vector.broadcast %shift_right_logical3A_1641 : i32 to vector<128x512xi32>
    %shift_right_logical3A_1643 = arith.shrui %xor3A_1636, %shift_right_logical3A_1642 : vector<128x512xi32>
    %or3A_1644 = arith.ori %shift_left3A_1640, %shift_right_logical3A_1643 : vector<128x512xi32>
    %xor3A_1645 = arith.xori %add3A_1637, %or3A_1644 : vector<128x512xi32>
    %add3A_1646 = arith.addi %add3A_1637, %xor3A_1645 : vector<128x512xi32>
    %shift_left3A_1647 = arith.constant 26 : i32
    %shift_left3A_1648 = vector.broadcast %shift_left3A_1647 : i32 to vector<128x512xi32>
    %shift_left3A_1649 = arith.shli %xor3A_1645, %shift_left3A_1648 : vector<128x512xi32>
    %shift_right_logical3A_1650 = arith.constant 6 : i32
    %shift_right_logical3A_1651 = vector.broadcast %shift_right_logical3A_1650 : i32 to vector<128x512xi32>
    %shift_right_logical3A_1652 = arith.shrui %xor3A_1645, %shift_right_logical3A_1651 : vector<128x512xi32>
    %or3A_1653 = arith.ori %shift_left3A_1649, %shift_right_logical3A_1652 : vector<128x512xi32>
    %xor3A_1654 = arith.xori %add3A_1646, %or3A_1653 : vector<128x512xi32>
    %add3A_1655 = arith.addi %add3A_1646, %xor3A_1654 : vector<128x512xi32>
    %shift_left3A_1656 = arith.constant 6 : i32
    %shift_left3A_1657 = vector.broadcast %shift_left3A_1656 : i32 to vector<128x512xi32>
    %shift_left3A_1658 = arith.shli %xor3A_1654, %shift_left3A_1657 : vector<128x512xi32>
    %shift_right_logical3A_1659 = arith.constant 26 : i32
    %shift_right_logical3A_1660 = vector.broadcast %shift_right_logical3A_1659 : i32 to vector<128x512xi32>
    %shift_right_logical3A_1661 = arith.shrui %xor3A_1654, %shift_right_logical3A_1660 : vector<128x512xi32>
    %or3A_1662 = arith.ori %shift_left3A_1658, %shift_right_logical3A_1661 : vector<128x512xi32>
    %xor3A_1663 = arith.xori %add3A_1655, %or3A_1662 : vector<128x512xi32>
    %add3A_1664 = arith.constant 466689008 : i32
    %add3A_1665 = vector.broadcast %add3A_1664 : i32 to vector<128x512xi32>
    %add3A_1666 = arith.addi %add3A_1655, %add3A_1665 : vector<128x512xi32>
    %add3A_1667 = arith.constant 0 : i32
    %add3A_1668 = vector.broadcast %add3A_1667 : i32 to vector<128x512xi32>
    %add3A_1669 = arith.addi %xor3A_1663, %add3A_1668 : vector<128x512xi32>
    %add3A_1670 = arith.constant 5 : i32
    %add3A_1671 = vector.broadcast %add3A_1670 : i32 to vector<128x512xi32>
    %add3A_1672 = arith.addi %add3A_1669, %add3A_1671 : vector<128x512xi32>
    %xor3A_1673 = arith.xori %add3A_1666, %add3A_1672 : vector<128x512xi32>
    %shift_right_logical3A_1674 = arith.constant 9 : i32
    %shift_right_logical3A_1675 = vector.broadcast %shift_right_logical3A_1674 : i32 to vector<128x512xi32>
    %shift_right_logical3A_1676 = arith.shrui %xor3A_1673, %shift_right_logical3A_1675 : vector<128x512xi32>
    %or3A_1677 = arith.constant 1065353216 : i32
    %or3A_1678 = vector.broadcast %or3A_1677 : i32 to vector<128x512xi32>
    %or3A_1679 = arith.ori %shift_right_logical3A_1676, %or3A_1678 : vector<128x512xi32>
    %bitcast_convert_type3A_1680 = tpu.bitcast %or3A_1679 : vector<128x512xi32> -> vector<128x512xf32>
    %sub3A_1681 = arith.constant 1.000000e+00 : f32
    %sub3A_1682 = vector.broadcast %sub3A_1681 : f32 to vector<128x512xf32>
    %sub3A_1683 = arith.subf %bitcast_convert_type3A_1680, %sub3A_1682 : vector<128x512xf32>
    %add3A_1684 = arith.constant 9.99999968E-21 : f32
    %add3A_1685 = vector.broadcast %add3A_1684 : f32 to vector<128x512xf32>
    %add3A_1686 = arith.addf %sub3A_1683, %add3A_1685 : vector<128x512xf32>
    %log3A_1687 = math.log %add3A_1686 : vector<128x512xf32>
    %neg3A_1688 = arith.constant 0.000000e+00 : f32
    %neg3A_1689 = vector.broadcast %neg3A_1688 : f32 to vector<128x512xf32>
    %neg3A_1690 = arith.subf %neg3A_1689, %log3A_1687 : vector<128x512xf32>
    %add3A_1691 = arith.constant 9.99999968E-21 : f32
    %add3A_1692 = vector.broadcast %add3A_1691 : f32 to vector<128x512xf32>
    %add3A_1693 = arith.addf %neg3A_1690, %add3A_1692 : vector<128x512xf32>
    %log3A_1694 = math.log %add3A_1693 : vector<128x512xf32>
    %neg3A_1695 = arith.constant 0.000000e+00 : f32
    %neg3A_1696 = vector.broadcast %neg3A_1695 : f32 to vector<128x512xf32>
    %neg3A_1697 = arith.subf %neg3A_1696, %log3A_1694 : vector<128x512xf32>
    %add3A_1698 = arith.addf %get3A_1433, %neg3A_1697 : vector<128x512xf32>
    %lt3A_1699 = arith.constant 100000 : i32
    %lt3A_1700 = vector.broadcast %lt3A_1699 : i32 to vector<128x512xi32>
    %lt3A_1701 = arith.cmpi slt, %add3A_1436, %lt3A_1700 : vector<128x512xi32>
    %jit3A_1702 = arith.constant 0xFF800000 : f32
    %broadcast_in_dim3A_1703 = vector.broadcast %jit3A_1702 : f32 to vector<128x512xf32>
    %select_n3A_1704 = arith.select %lt3A_1701, %add3A_1698, %broadcast_in_dim3A_1703 : vector<128x512xi1>, vector<128x512xf32>
    %reduce_max3A_1705 = arith.constant dense<0xFF800000> : vector<128xf32>
    %reduce_max3A_1706 = vector.multi_reduction <maximumf>, %select_n3A_1704, %reduce_max3A_1705 [1] : vector<128x512xf32> to vector<128xf32>
    %broadcast_in_dim3A_1707 = vector.shape_cast %reduce_max3A_1706 : vector<128xf32> to vector<128x1xf32>
    %eq3A_1708 = vector.broadcast %broadcast_in_dim3A_1707 : vector<128x1xf32> to vector<128x512xf32>
    %eq3A_1709 = arith.cmpf oeq, %select_n3A_1704, %eq3A_1708 : vector<128x512xf32>
    %jit3A_1710 = arith.constant 2147483647 : i32
    %broadcast_in_dim3A_1711 = vector.broadcast %jit3A_1710 : i32 to vector<128x512xi32>
    %select_n3A_1712 = arith.select %eq3A_1709, %add3A_1436, %broadcast_in_dim3A_1711 : vector<128x512xi1>, vector<128x512xi32>
    %reduce_min3A_1713 = arith.constant dense<2147483647> : vector<128xi32>
    %reduce_min3A_1714 = vector.multi_reduction <minsi>, %select_n3A_1712, %reduce_min3A_1713 [1] : vector<128x512xi32> to vector<128xi32>
    %broadcast_in_dim3A_1715 = vector.shape_cast %reduce_min3A_1714 : vector<128xi32> to vector<128x1xi32>
    %gt3A_1716 = arith.cmpf ogt, %broadcast_in_dim3A_1707, %select_n3A_1429 : vector<128x1xf32>
    %select_n3A_1717 = arith.select %gt3A_1716, %broadcast_in_dim3A_1707, %select_n3A_1429 : vector<128x1xi1>, vector<128x1xf32>
    %select_n3A_1718 = arith.select %gt3A_1716, %broadcast_in_dim3A_1715, %select_n3A_1430 : vector<128x1xi1>, vector<128x1xi32>
    %get3A_1719 = arith.constant 0 : index
    %get3A_1720 = arith.constant 3072 : index
    %get3A_1721 = vector.load %arg1[%get3A_1719, %get3A_1720] : memref<128x4096xf32, #tpu.memory_space<vmem>>, vector<128x512xf32>
    %add3A_1722 = arith.constant 3072 : i32
    %add3A_1723 = vector.broadcast %add3A_1722 : i32 to vector<128x512xi32>
    %add3A_1724 = arith.addi %add3A_4, %add3A_1723 : vector<128x512xi32>
    %add3A_1725 = arith.constant 3072 : i32
    %add3A_1726 = vector.broadcast %add3A_1725 : i32 to vector<128x512xi32>
    %add3A_1727 = arith.addi %add3A_9, %add3A_1726 : vector<128x512xi32>
    %broadcast_in_dim3A_1728 = arith.constant 0 : i32
    %broadcast_in_dim3A_1729 = vector.broadcast %broadcast_in_dim3A_1728 : i32 to vector<128x512xi32>
    %add3A_1730 = arith.constant 0 : i32
    %add3A_1731 = vector.broadcast %add3A_1730 : i32 to vector<128x512xi32>
    %add3A_1732 = arith.addi %broadcast_in_dim3A_1729, %add3A_1731 : vector<128x512xi32>
    %add3A_1733 = arith.constant 42 : i32
    %add3A_1734 = vector.broadcast %add3A_1733 : i32 to vector<128x512xi32>
    %add3A_1735 = arith.addi %add3A_1727, %add3A_1734 : vector<128x512xi32>
    %add3A_1736 = arith.addi %add3A_1732, %add3A_1735 : vector<128x512xi32>
    %shift_left3A_1737 = arith.constant 13 : i32
    %shift_left3A_1738 = vector.broadcast %shift_left3A_1737 : i32 to vector<128x512xi32>
    %shift_left3A_1739 = arith.shli %add3A_1735, %shift_left3A_1738 : vector<128x512xi32>
    %shift_right_logical3A_1740 = arith.constant 19 : i32
    %shift_right_logical3A_1741 = vector.broadcast %shift_right_logical3A_1740 : i32 to vector<128x512xi32>
    %shift_right_logical3A_1742 = arith.shrui %add3A_1735, %shift_right_logical3A_1741 : vector<128x512xi32>
    %or3A_1743 = arith.ori %shift_left3A_1739, %shift_right_logical3A_1742 : vector<128x512xi32>
    %xor3A_1744 = arith.xori %add3A_1736, %or3A_1743 : vector<128x512xi32>
    %add3A_1745 = arith.addi %add3A_1736, %xor3A_1744 : vector<128x512xi32>
    %shift_left3A_1746 = arith.constant 15 : i32
    %shift_left3A_1747 = vector.broadcast %shift_left3A_1746 : i32 to vector<128x512xi32>
    %shift_left3A_1748 = arith.shli %xor3A_1744, %shift_left3A_1747 : vector<128x512xi32>
    %shift_right_logical3A_1749 = arith.constant 17 : i32
    %shift_right_logical3A_1750 = vector.broadcast %shift_right_logical3A_1749 : i32 to vector<128x512xi32>
    %shift_right_logical3A_1751 = arith.shrui %xor3A_1744, %shift_right_logical3A_1750 : vector<128x512xi32>
    %or3A_1752 = arith.ori %shift_left3A_1748, %shift_right_logical3A_1751 : vector<128x512xi32>
    %xor3A_1753 = arith.xori %add3A_1745, %or3A_1752 : vector<128x512xi32>
    %add3A_1754 = arith.addi %add3A_1745, %xor3A_1753 : vector<128x512xi32>
    %shift_left3A_1755 = arith.constant 26 : i32
    %shift_left3A_1756 = vector.broadcast %shift_left3A_1755 : i32 to vector<128x512xi32>
    %shift_left3A_1757 = arith.shli %xor3A_1753, %shift_left3A_1756 : vector<128x512xi32>
    %shift_right_logical3A_1758 = arith.constant 6 : i32
    %shift_right_logical3A_1759 = vector.broadcast %shift_right_logical3A_1758 : i32 to vector<128x512xi32>
    %shift_right_logical3A_1760 = arith.shrui %xor3A_1753, %shift_right_logical3A_1759 : vector<128x512xi32>
    %or3A_1761 = arith.ori %shift_left3A_1757, %shift_right_logical3A_1760 : vector<128x512xi32>
    %xor3A_1762 = arith.xori %add3A_1754, %or3A_1761 : vector<128x512xi32>
    %add3A_1763 = arith.addi %add3A_1754, %xor3A_1762 : vector<128x512xi32>
    %shift_left3A_1764 = arith.constant 6 : i32
    %shift_left3A_1765 = vector.broadcast %shift_left3A_1764 : i32 to vector<128x512xi32>
    %shift_left3A_1766 = arith.shli %xor3A_1762, %shift_left3A_1765 : vector<128x512xi32>
    %shift_right_logical3A_1767 = arith.constant 26 : i32
    %shift_right_logical3A_1768 = vector.broadcast %shift_right_logical3A_1767 : i32 to vector<128x512xi32>
    %shift_right_logical3A_1769 = arith.shrui %xor3A_1762, %shift_right_logical3A_1768 : vector<128x512xi32>
    %or3A_1770 = arith.ori %shift_left3A_1766, %shift_right_logical3A_1769 : vector<128x512xi32>
    %xor3A_1771 = arith.xori %add3A_1763, %or3A_1770 : vector<128x512xi32>
    %add3A_1772 = arith.constant 42 : i32
    %add3A_1773 = vector.broadcast %add3A_1772 : i32 to vector<128x512xi32>
    %add3A_1774 = arith.addi %add3A_1763, %add3A_1773 : vector<128x512xi32>
    %add3A_1775 = arith.constant 466689008 : i32
    %add3A_1776 = vector.broadcast %add3A_1775 : i32 to vector<128x512xi32>
    %add3A_1777 = arith.addi %xor3A_1771, %add3A_1776 : vector<128x512xi32>
    %add3A_1778 = arith.constant 1 : i32
    %add3A_1779 = vector.broadcast %add3A_1778 : i32 to vector<128x512xi32>
    %add3A_1780 = arith.addi %add3A_1777, %add3A_1779 : vector<128x512xi32>
    %add3A_1781 = arith.addi %add3A_1774, %add3A_1780 : vector<128x512xi32>
    %shift_left3A_1782 = arith.constant 17 : i32
    %shift_left3A_1783 = vector.broadcast %shift_left3A_1782 : i32 to vector<128x512xi32>
    %shift_left3A_1784 = arith.shli %add3A_1780, %shift_left3A_1783 : vector<128x512xi32>
    %shift_right_logical3A_1785 = arith.constant 15 : i32
    %shift_right_logical3A_1786 = vector.broadcast %shift_right_logical3A_1785 : i32 to vector<128x512xi32>
    %shift_right_logical3A_1787 = arith.shrui %add3A_1780, %shift_right_logical3A_1786 : vector<128x512xi32>
    %or3A_1788 = arith.ori %shift_left3A_1784, %shift_right_logical3A_1787 : vector<128x512xi32>
    %xor3A_1789 = arith.xori %add3A_1781, %or3A_1788 : vector<128x512xi32>
    %add3A_1790 = arith.addi %add3A_1781, %xor3A_1789 : vector<128x512xi32>
    %shift_left3A_1791 = arith.constant 29 : i32
    %shift_left3A_1792 = vector.broadcast %shift_left3A_1791 : i32 to vector<128x512xi32>
    %shift_left3A_1793 = arith.shli %xor3A_1789, %shift_left3A_1792 : vector<128x512xi32>
    %shift_right_logical3A_1794 = arith.constant 3 : i32
    %shift_right_logical3A_1795 = vector.broadcast %shift_right_logical3A_1794 : i32 to vector<128x512xi32>
    %shift_right_logical3A_1796 = arith.shrui %xor3A_1789, %shift_right_logical3A_1795 : vector<128x512xi32>
    %or3A_1797 = arith.ori %shift_left3A_1793, %shift_right_logical3A_1796 : vector<128x512xi32>
    %xor3A_1798 = arith.xori %add3A_1790, %or3A_1797 : vector<128x512xi32>
    %add3A_1799 = arith.addi %add3A_1790, %xor3A_1798 : vector<128x512xi32>
    %shift_left3A_1800 = arith.constant 16 : i32
    %shift_left3A_1801 = vector.broadcast %shift_left3A_1800 : i32 to vector<128x512xi32>
    %shift_left3A_1802 = arith.shli %xor3A_1798, %shift_left3A_1801 : vector<128x512xi32>
    %shift_right_logical3A_1803 = arith.constant 16 : i32
    %shift_right_logical3A_1804 = vector.broadcast %shift_right_logical3A_1803 : i32 to vector<128x512xi32>
    %shift_right_logical3A_1805 = arith.shrui %xor3A_1798, %shift_right_logical3A_1804 : vector<128x512xi32>
    %or3A_1806 = arith.ori %shift_left3A_1802, %shift_right_logical3A_1805 : vector<128x512xi32>
    %xor3A_1807 = arith.xori %add3A_1799, %or3A_1806 : vector<128x512xi32>
    %add3A_1808 = arith.addi %add3A_1799, %xor3A_1807 : vector<128x512xi32>
    %shift_left3A_1809 = arith.constant 24 : i32
    %shift_left3A_1810 = vector.broadcast %shift_left3A_1809 : i32 to vector<128x512xi32>
    %shift_left3A_1811 = arith.shli %xor3A_1807, %shift_left3A_1810 : vector<128x512xi32>
    %shift_right_logical3A_1812 = arith.constant 8 : i32
    %shift_right_logical3A_1813 = vector.broadcast %shift_right_logical3A_1812 : i32 to vector<128x512xi32>
    %shift_right_logical3A_1814 = arith.shrui %xor3A_1807, %shift_right_logical3A_1813 : vector<128x512xi32>
    %or3A_1815 = arith.ori %shift_left3A_1811, %shift_right_logical3A_1814 : vector<128x512xi32>
    %xor3A_1816 = arith.xori %add3A_1808, %or3A_1815 : vector<128x512xi32>
    %add3A_1817 = arith.constant 466689008 : i32
    %add3A_1818 = vector.broadcast %add3A_1817 : i32 to vector<128x512xi32>
    %add3A_1819 = arith.addi %add3A_1808, %add3A_1818 : vector<128x512xi32>
    %add3A_1820 = arith.constant 0 : i32
    %add3A_1821 = vector.broadcast %add3A_1820 : i32 to vector<128x512xi32>
    %add3A_1822 = arith.addi %xor3A_1816, %add3A_1821 : vector<128x512xi32>
    %add3A_1823 = arith.constant 2 : i32
    %add3A_1824 = vector.broadcast %add3A_1823 : i32 to vector<128x512xi32>
    %add3A_1825 = arith.addi %add3A_1822, %add3A_1824 : vector<128x512xi32>
    %add3A_1826 = arith.addi %add3A_1819, %add3A_1825 : vector<128x512xi32>
    %shift_left3A_1827 = arith.constant 13 : i32
    %shift_left3A_1828 = vector.broadcast %shift_left3A_1827 : i32 to vector<128x512xi32>
    %shift_left3A_1829 = arith.shli %add3A_1825, %shift_left3A_1828 : vector<128x512xi32>
    %shift_right_logical3A_1830 = arith.constant 19 : i32
    %shift_right_logical3A_1831 = vector.broadcast %shift_right_logical3A_1830 : i32 to vector<128x512xi32>
    %shift_right_logical3A_1832 = arith.shrui %add3A_1825, %shift_right_logical3A_1831 : vector<128x512xi32>
    %or3A_1833 = arith.ori %shift_left3A_1829, %shift_right_logical3A_1832 : vector<128x512xi32>
    %xor3A_1834 = arith.xori %add3A_1826, %or3A_1833 : vector<128x512xi32>
    %add3A_1835 = arith.addi %add3A_1826, %xor3A_1834 : vector<128x512xi32>
    %shift_left3A_1836 = arith.constant 15 : i32
    %shift_left3A_1837 = vector.broadcast %shift_left3A_1836 : i32 to vector<128x512xi32>
    %shift_left3A_1838 = arith.shli %xor3A_1834, %shift_left3A_1837 : vector<128x512xi32>
    %shift_right_logical3A_1839 = arith.constant 17 : i32
    %shift_right_logical3A_1840 = vector.broadcast %shift_right_logical3A_1839 : i32 to vector<128x512xi32>
    %shift_right_logical3A_1841 = arith.shrui %xor3A_1834, %shift_right_logical3A_1840 : vector<128x512xi32>
    %or3A_1842 = arith.ori %shift_left3A_1838, %shift_right_logical3A_1841 : vector<128x512xi32>
    %xor3A_1843 = arith.xori %add3A_1835, %or3A_1842 : vector<128x512xi32>
    %add3A_1844 = arith.addi %add3A_1835, %xor3A_1843 : vector<128x512xi32>
    %shift_left3A_1845 = arith.constant 26 : i32
    %shift_left3A_1846 = vector.broadcast %shift_left3A_1845 : i32 to vector<128x512xi32>
    %shift_left3A_1847 = arith.shli %xor3A_1843, %shift_left3A_1846 : vector<128x512xi32>
    %shift_right_logical3A_1848 = arith.constant 6 : i32
    %shift_right_logical3A_1849 = vector.broadcast %shift_right_logical3A_1848 : i32 to vector<128x512xi32>
    %shift_right_logical3A_1850 = arith.shrui %xor3A_1843, %shift_right_logical3A_1849 : vector<128x512xi32>
    %or3A_1851 = arith.ori %shift_left3A_1847, %shift_right_logical3A_1850 : vector<128x512xi32>
    %xor3A_1852 = arith.xori %add3A_1844, %or3A_1851 : vector<128x512xi32>
    %add3A_1853 = arith.addi %add3A_1844, %xor3A_1852 : vector<128x512xi32>
    %shift_left3A_1854 = arith.constant 6 : i32
    %shift_left3A_1855 = vector.broadcast %shift_left3A_1854 : i32 to vector<128x512xi32>
    %shift_left3A_1856 = arith.shli %xor3A_1852, %shift_left3A_1855 : vector<128x512xi32>
    %shift_right_logical3A_1857 = arith.constant 26 : i32
    %shift_right_logical3A_1858 = vector.broadcast %shift_right_logical3A_1857 : i32 to vector<128x512xi32>
    %shift_right_logical3A_1859 = arith.shrui %xor3A_1852, %shift_right_logical3A_1858 : vector<128x512xi32>
    %or3A_1860 = arith.ori %shift_left3A_1856, %shift_right_logical3A_1859 : vector<128x512xi32>
    %xor3A_1861 = arith.xori %add3A_1853, %or3A_1860 : vector<128x512xi32>
    %add3A_1862 = arith.constant 0 : i32
    %add3A_1863 = vector.broadcast %add3A_1862 : i32 to vector<128x512xi32>
    %add3A_1864 = arith.addi %add3A_1853, %add3A_1863 : vector<128x512xi32>
    %add3A_1865 = arith.constant 42 : i32
    %add3A_1866 = vector.broadcast %add3A_1865 : i32 to vector<128x512xi32>
    %add3A_1867 = arith.addi %xor3A_1861, %add3A_1866 : vector<128x512xi32>
    %add3A_1868 = arith.constant 3 : i32
    %add3A_1869 = vector.broadcast %add3A_1868 : i32 to vector<128x512xi32>
    %add3A_1870 = arith.addi %add3A_1867, %add3A_1869 : vector<128x512xi32>
    %add3A_1871 = arith.addi %add3A_1864, %add3A_1870 : vector<128x512xi32>
    %shift_left3A_1872 = arith.constant 17 : i32
    %shift_left3A_1873 = vector.broadcast %shift_left3A_1872 : i32 to vector<128x512xi32>
    %shift_left3A_1874 = arith.shli %add3A_1870, %shift_left3A_1873 : vector<128x512xi32>
    %shift_right_logical3A_1875 = arith.constant 15 : i32
    %shift_right_logical3A_1876 = vector.broadcast %shift_right_logical3A_1875 : i32 to vector<128x512xi32>
    %shift_right_logical3A_1877 = arith.shrui %add3A_1870, %shift_right_logical3A_1876 : vector<128x512xi32>
    %or3A_1878 = arith.ori %shift_left3A_1874, %shift_right_logical3A_1877 : vector<128x512xi32>
    %xor3A_1879 = arith.xori %add3A_1871, %or3A_1878 : vector<128x512xi32>
    %add3A_1880 = arith.addi %add3A_1871, %xor3A_1879 : vector<128x512xi32>
    %shift_left3A_1881 = arith.constant 29 : i32
    %shift_left3A_1882 = vector.broadcast %shift_left3A_1881 : i32 to vector<128x512xi32>
    %shift_left3A_1883 = arith.shli %xor3A_1879, %shift_left3A_1882 : vector<128x512xi32>
    %shift_right_logical3A_1884 = arith.constant 3 : i32
    %shift_right_logical3A_1885 = vector.broadcast %shift_right_logical3A_1884 : i32 to vector<128x512xi32>
    %shift_right_logical3A_1886 = arith.shrui %xor3A_1879, %shift_right_logical3A_1885 : vector<128x512xi32>
    %or3A_1887 = arith.ori %shift_left3A_1883, %shift_right_logical3A_1886 : vector<128x512xi32>
    %xor3A_1888 = arith.xori %add3A_1880, %or3A_1887 : vector<128x512xi32>
    %add3A_1889 = arith.addi %add3A_1880, %xor3A_1888 : vector<128x512xi32>
    %shift_left3A_1890 = arith.constant 16 : i32
    %shift_left3A_1891 = vector.broadcast %shift_left3A_1890 : i32 to vector<128x512xi32>
    %shift_left3A_1892 = arith.shli %xor3A_1888, %shift_left3A_1891 : vector<128x512xi32>
    %shift_right_logical3A_1893 = arith.constant 16 : i32
    %shift_right_logical3A_1894 = vector.broadcast %shift_right_logical3A_1893 : i32 to vector<128x512xi32>
    %shift_right_logical3A_1895 = arith.shrui %xor3A_1888, %shift_right_logical3A_1894 : vector<128x512xi32>
    %or3A_1896 = arith.ori %shift_left3A_1892, %shift_right_logical3A_1895 : vector<128x512xi32>
    %xor3A_1897 = arith.xori %add3A_1889, %or3A_1896 : vector<128x512xi32>
    %add3A_1898 = arith.addi %add3A_1889, %xor3A_1897 : vector<128x512xi32>
    %shift_left3A_1899 = arith.constant 24 : i32
    %shift_left3A_1900 = vector.broadcast %shift_left3A_1899 : i32 to vector<128x512xi32>
    %shift_left3A_1901 = arith.shli %xor3A_1897, %shift_left3A_1900 : vector<128x512xi32>
    %shift_right_logical3A_1902 = arith.constant 8 : i32
    %shift_right_logical3A_1903 = vector.broadcast %shift_right_logical3A_1902 : i32 to vector<128x512xi32>
    %shift_right_logical3A_1904 = arith.shrui %xor3A_1897, %shift_right_logical3A_1903 : vector<128x512xi32>
    %or3A_1905 = arith.ori %shift_left3A_1901, %shift_right_logical3A_1904 : vector<128x512xi32>
    %xor3A_1906 = arith.xori %add3A_1898, %or3A_1905 : vector<128x512xi32>
    %add3A_1907 = arith.constant 42 : i32
    %add3A_1908 = vector.broadcast %add3A_1907 : i32 to vector<128x512xi32>
    %add3A_1909 = arith.addi %add3A_1898, %add3A_1908 : vector<128x512xi32>
    %add3A_1910 = arith.constant 466689008 : i32
    %add3A_1911 = vector.broadcast %add3A_1910 : i32 to vector<128x512xi32>
    %add3A_1912 = arith.addi %xor3A_1906, %add3A_1911 : vector<128x512xi32>
    %add3A_1913 = arith.constant 4 : i32
    %add3A_1914 = vector.broadcast %add3A_1913 : i32 to vector<128x512xi32>
    %add3A_1915 = arith.addi %add3A_1912, %add3A_1914 : vector<128x512xi32>
    %add3A_1916 = arith.addi %add3A_1909, %add3A_1915 : vector<128x512xi32>
    %shift_left3A_1917 = arith.constant 13 : i32
    %shift_left3A_1918 = vector.broadcast %shift_left3A_1917 : i32 to vector<128x512xi32>
    %shift_left3A_1919 = arith.shli %add3A_1915, %shift_left3A_1918 : vector<128x512xi32>
    %shift_right_logical3A_1920 = arith.constant 19 : i32
    %shift_right_logical3A_1921 = vector.broadcast %shift_right_logical3A_1920 : i32 to vector<128x512xi32>
    %shift_right_logical3A_1922 = arith.shrui %add3A_1915, %shift_right_logical3A_1921 : vector<128x512xi32>
    %or3A_1923 = arith.ori %shift_left3A_1919, %shift_right_logical3A_1922 : vector<128x512xi32>
    %xor3A_1924 = arith.xori %add3A_1916, %or3A_1923 : vector<128x512xi32>
    %add3A_1925 = arith.addi %add3A_1916, %xor3A_1924 : vector<128x512xi32>
    %shift_left3A_1926 = arith.constant 15 : i32
    %shift_left3A_1927 = vector.broadcast %shift_left3A_1926 : i32 to vector<128x512xi32>
    %shift_left3A_1928 = arith.shli %xor3A_1924, %shift_left3A_1927 : vector<128x512xi32>
    %shift_right_logical3A_1929 = arith.constant 17 : i32
    %shift_right_logical3A_1930 = vector.broadcast %shift_right_logical3A_1929 : i32 to vector<128x512xi32>
    %shift_right_logical3A_1931 = arith.shrui %xor3A_1924, %shift_right_logical3A_1930 : vector<128x512xi32>
    %or3A_1932 = arith.ori %shift_left3A_1928, %shift_right_logical3A_1931 : vector<128x512xi32>
    %xor3A_1933 = arith.xori %add3A_1925, %or3A_1932 : vector<128x512xi32>
    %add3A_1934 = arith.addi %add3A_1925, %xor3A_1933 : vector<128x512xi32>
    %shift_left3A_1935 = arith.constant 26 : i32
    %shift_left3A_1936 = vector.broadcast %shift_left3A_1935 : i32 to vector<128x512xi32>
    %shift_left3A_1937 = arith.shli %xor3A_1933, %shift_left3A_1936 : vector<128x512xi32>
    %shift_right_logical3A_1938 = arith.constant 6 : i32
    %shift_right_logical3A_1939 = vector.broadcast %shift_right_logical3A_1938 : i32 to vector<128x512xi32>
    %shift_right_logical3A_1940 = arith.shrui %xor3A_1933, %shift_right_logical3A_1939 : vector<128x512xi32>
    %or3A_1941 = arith.ori %shift_left3A_1937, %shift_right_logical3A_1940 : vector<128x512xi32>
    %xor3A_1942 = arith.xori %add3A_1934, %or3A_1941 : vector<128x512xi32>
    %add3A_1943 = arith.addi %add3A_1934, %xor3A_1942 : vector<128x512xi32>
    %shift_left3A_1944 = arith.constant 6 : i32
    %shift_left3A_1945 = vector.broadcast %shift_left3A_1944 : i32 to vector<128x512xi32>
    %shift_left3A_1946 = arith.shli %xor3A_1942, %shift_left3A_1945 : vector<128x512xi32>
    %shift_right_logical3A_1947 = arith.constant 26 : i32
    %shift_right_logical3A_1948 = vector.broadcast %shift_right_logical3A_1947 : i32 to vector<128x512xi32>
    %shift_right_logical3A_1949 = arith.shrui %xor3A_1942, %shift_right_logical3A_1948 : vector<128x512xi32>
    %or3A_1950 = arith.ori %shift_left3A_1946, %shift_right_logical3A_1949 : vector<128x512xi32>
    %xor3A_1951 = arith.xori %add3A_1943, %or3A_1950 : vector<128x512xi32>
    %add3A_1952 = arith.constant 466689008 : i32
    %add3A_1953 = vector.broadcast %add3A_1952 : i32 to vector<128x512xi32>
    %add3A_1954 = arith.addi %add3A_1943, %add3A_1953 : vector<128x512xi32>
    %add3A_1955 = arith.constant 0 : i32
    %add3A_1956 = vector.broadcast %add3A_1955 : i32 to vector<128x512xi32>
    %add3A_1957 = arith.addi %xor3A_1951, %add3A_1956 : vector<128x512xi32>
    %add3A_1958 = arith.constant 5 : i32
    %add3A_1959 = vector.broadcast %add3A_1958 : i32 to vector<128x512xi32>
    %add3A_1960 = arith.addi %add3A_1957, %add3A_1959 : vector<128x512xi32>
    %xor3A_1961 = arith.xori %add3A_1954, %add3A_1960 : vector<128x512xi32>
    %shift_right_logical3A_1962 = arith.constant 9 : i32
    %shift_right_logical3A_1963 = vector.broadcast %shift_right_logical3A_1962 : i32 to vector<128x512xi32>
    %shift_right_logical3A_1964 = arith.shrui %xor3A_1961, %shift_right_logical3A_1963 : vector<128x512xi32>
    %or3A_1965 = arith.constant 1065353216 : i32
    %or3A_1966 = vector.broadcast %or3A_1965 : i32 to vector<128x512xi32>
    %or3A_1967 = arith.ori %shift_right_logical3A_1964, %or3A_1966 : vector<128x512xi32>
    %bitcast_convert_type3A_1968 = tpu.bitcast %or3A_1967 : vector<128x512xi32> -> vector<128x512xf32>
    %sub3A_1969 = arith.constant 1.000000e+00 : f32
    %sub3A_1970 = vector.broadcast %sub3A_1969 : f32 to vector<128x512xf32>
    %sub3A_1971 = arith.subf %bitcast_convert_type3A_1968, %sub3A_1970 : vector<128x512xf32>
    %add3A_1972 = arith.constant 9.99999968E-21 : f32
    %add3A_1973 = vector.broadcast %add3A_1972 : f32 to vector<128x512xf32>
    %add3A_1974 = arith.addf %sub3A_1971, %add3A_1973 : vector<128x512xf32>
    %log3A_1975 = math.log %add3A_1974 : vector<128x512xf32>
    %neg3A_1976 = arith.constant 0.000000e+00 : f32
    %neg3A_1977 = vector.broadcast %neg3A_1976 : f32 to vector<128x512xf32>
    %neg3A_1978 = arith.subf %neg3A_1977, %log3A_1975 : vector<128x512xf32>
    %add3A_1979 = arith.constant 9.99999968E-21 : f32
    %add3A_1980 = vector.broadcast %add3A_1979 : f32 to vector<128x512xf32>
    %add3A_1981 = arith.addf %neg3A_1978, %add3A_1980 : vector<128x512xf32>
    %log3A_1982 = math.log %add3A_1981 : vector<128x512xf32>
    %neg3A_1983 = arith.constant 0.000000e+00 : f32
    %neg3A_1984 = vector.broadcast %neg3A_1983 : f32 to vector<128x512xf32>
    %neg3A_1985 = arith.subf %neg3A_1984, %log3A_1982 : vector<128x512xf32>
    %add3A_1986 = arith.addf %get3A_1721, %neg3A_1985 : vector<128x512xf32>
    %lt3A_1987 = arith.constant 100000 : i32
    %lt3A_1988 = vector.broadcast %lt3A_1987 : i32 to vector<128x512xi32>
    %lt3A_1989 = arith.cmpi slt, %add3A_1724, %lt3A_1988 : vector<128x512xi32>
    %jit3A_1990 = arith.constant 0xFF800000 : f32
    %broadcast_in_dim3A_1991 = vector.broadcast %jit3A_1990 : f32 to vector<128x512xf32>
    %select_n3A_1992 = arith.select %lt3A_1989, %add3A_1986, %broadcast_in_dim3A_1991 : vector<128x512xi1>, vector<128x512xf32>
    %reduce_max3A_1993 = arith.constant dense<0xFF800000> : vector<128xf32>
    %reduce_max3A_1994 = vector.multi_reduction <maximumf>, %select_n3A_1992, %reduce_max3A_1993 [1] : vector<128x512xf32> to vector<128xf32>
    %broadcast_in_dim3A_1995 = vector.shape_cast %reduce_max3A_1994 : vector<128xf32> to vector<128x1xf32>
    %eq3A_1996 = vector.broadcast %broadcast_in_dim3A_1995 : vector<128x1xf32> to vector<128x512xf32>
    %eq3A_1997 = arith.cmpf oeq, %select_n3A_1992, %eq3A_1996 : vector<128x512xf32>
    %jit3A_1998 = arith.constant 2147483647 : i32
    %broadcast_in_dim3A_1999 = vector.broadcast %jit3A_1998 : i32 to vector<128x512xi32>
    %select_n3A_2000 = arith.select %eq3A_1997, %add3A_1724, %broadcast_in_dim3A_1999 : vector<128x512xi1>, vector<128x512xi32>
    %reduce_min3A_2001 = arith.constant dense<2147483647> : vector<128xi32>
    %reduce_min3A_2002 = vector.multi_reduction <minsi>, %select_n3A_2000, %reduce_min3A_2001 [1] : vector<128x512xi32> to vector<128xi32>
    %broadcast_in_dim3A_2003 = vector.shape_cast %reduce_min3A_2002 : vector<128xi32> to vector<128x1xi32>
    %gt3A_2004 = arith.cmpf ogt, %broadcast_in_dim3A_1995, %select_n3A_1717 : vector<128x1xf32>
    %select_n3A_2005 = arith.select %gt3A_2004, %broadcast_in_dim3A_1995, %select_n3A_1717 : vector<128x1xi1>, vector<128x1xf32>
    %select_n3A_2006 = arith.select %gt3A_2004, %broadcast_in_dim3A_2003, %select_n3A_1718 : vector<128x1xi1>, vector<128x1xi32>
    %get3A_2007 = arith.constant 0 : index
    %get3A_2008 = arith.constant 3584 : index
    %get3A_2009 = vector.load %arg1[%get3A_2007, %get3A_2008] : memref<128x4096xf32, #tpu.memory_space<vmem>>, vector<128x512xf32>
    %add3A_2010 = arith.constant 3584 : i32
    %add3A_2011 = vector.broadcast %add3A_2010 : i32 to vector<128x512xi32>
    %add3A_2012 = arith.addi %add3A_4, %add3A_2011 : vector<128x512xi32>
    %add3A_2013 = arith.constant 3584 : i32
    %add3A_2014 = vector.broadcast %add3A_2013 : i32 to vector<128x512xi32>
    %add3A_2015 = arith.addi %add3A_9, %add3A_2014 : vector<128x512xi32>
    %broadcast_in_dim3A_2016 = arith.constant 0 : i32
    %broadcast_in_dim3A_2017 = vector.broadcast %broadcast_in_dim3A_2016 : i32 to vector<128x512xi32>
    %add3A_2018 = arith.constant 0 : i32
    %add3A_2019 = vector.broadcast %add3A_2018 : i32 to vector<128x512xi32>
    %add3A_2020 = arith.addi %broadcast_in_dim3A_2017, %add3A_2019 : vector<128x512xi32>
    %add3A_2021 = arith.constant 42 : i32
    %add3A_2022 = vector.broadcast %add3A_2021 : i32 to vector<128x512xi32>
    %add3A_2023 = arith.addi %add3A_2015, %add3A_2022 : vector<128x512xi32>
    %add3A_2024 = arith.addi %add3A_2020, %add3A_2023 : vector<128x512xi32>
    %shift_left3A_2025 = arith.constant 13 : i32
    %shift_left3A_2026 = vector.broadcast %shift_left3A_2025 : i32 to vector<128x512xi32>
    %shift_left3A_2027 = arith.shli %add3A_2023, %shift_left3A_2026 : vector<128x512xi32>
    %shift_right_logical3A_2028 = arith.constant 19 : i32
    %shift_right_logical3A_2029 = vector.broadcast %shift_right_logical3A_2028 : i32 to vector<128x512xi32>
    %shift_right_logical3A_2030 = arith.shrui %add3A_2023, %shift_right_logical3A_2029 : vector<128x512xi32>
    %or3A_2031 = arith.ori %shift_left3A_2027, %shift_right_logical3A_2030 : vector<128x512xi32>
    %xor3A_2032 = arith.xori %add3A_2024, %or3A_2031 : vector<128x512xi32>
    %add3A_2033 = arith.addi %add3A_2024, %xor3A_2032 : vector<128x512xi32>
    %shift_left3A_2034 = arith.constant 15 : i32
    %shift_left3A_2035 = vector.broadcast %shift_left3A_2034 : i32 to vector<128x512xi32>
    %shift_left3A_2036 = arith.shli %xor3A_2032, %shift_left3A_2035 : vector<128x512xi32>
    %shift_right_logical3A_2037 = arith.constant 17 : i32
    %shift_right_logical3A_2038 = vector.broadcast %shift_right_logical3A_2037 : i32 to vector<128x512xi32>
    %shift_right_logical3A_2039 = arith.shrui %xor3A_2032, %shift_right_logical3A_2038 : vector<128x512xi32>
    %or3A_2040 = arith.ori %shift_left3A_2036, %shift_right_logical3A_2039 : vector<128x512xi32>
    %xor3A_2041 = arith.xori %add3A_2033, %or3A_2040 : vector<128x512xi32>
    %add3A_2042 = arith.addi %add3A_2033, %xor3A_2041 : vector<128x512xi32>
    %shift_left3A_2043 = arith.constant 26 : i32
    %shift_left3A_2044 = vector.broadcast %shift_left3A_2043 : i32 to vector<128x512xi32>
    %shift_left3A_2045 = arith.shli %xor3A_2041, %shift_left3A_2044 : vector<128x512xi32>
    %shift_right_logical3A_2046 = arith.constant 6 : i32
    %shift_right_logical3A_2047 = vector.broadcast %shift_right_logical3A_2046 : i32 to vector<128x512xi32>
    %shift_right_logical3A_2048 = arith.shrui %xor3A_2041, %shift_right_logical3A_2047 : vector<128x512xi32>
    %or3A_2049 = arith.ori %shift_left3A_2045, %shift_right_logical3A_2048 : vector<128x512xi32>
    %xor3A_2050 = arith.xori %add3A_2042, %or3A_2049 : vector<128x512xi32>
    %add3A_2051 = arith.addi %add3A_2042, %xor3A_2050 : vector<128x512xi32>
    %shift_left3A_2052 = arith.constant 6 : i32
    %shift_left3A_2053 = vector.broadcast %shift_left3A_2052 : i32 to vector<128x512xi32>
    %shift_left3A_2054 = arith.shli %xor3A_2050, %shift_left3A_2053 : vector<128x512xi32>
    %shift_right_logical3A_2055 = arith.constant 26 : i32
    %shift_right_logical3A_2056 = vector.broadcast %shift_right_logical3A_2055 : i32 to vector<128x512xi32>
    %shift_right_logical3A_2057 = arith.shrui %xor3A_2050, %shift_right_logical3A_2056 : vector<128x512xi32>
    %or3A_2058 = arith.ori %shift_left3A_2054, %shift_right_logical3A_2057 : vector<128x512xi32>
    %xor3A_2059 = arith.xori %add3A_2051, %or3A_2058 : vector<128x512xi32>
    %add3A_2060 = arith.constant 42 : i32
    %add3A_2061 = vector.broadcast %add3A_2060 : i32 to vector<128x512xi32>
    %add3A_2062 = arith.addi %add3A_2051, %add3A_2061 : vector<128x512xi32>
    %add3A_2063 = arith.constant 466689008 : i32
    %add3A_2064 = vector.broadcast %add3A_2063 : i32 to vector<128x512xi32>
    %add3A_2065 = arith.addi %xor3A_2059, %add3A_2064 : vector<128x512xi32>
    %add3A_2066 = arith.constant 1 : i32
    %add3A_2067 = vector.broadcast %add3A_2066 : i32 to vector<128x512xi32>
    %add3A_2068 = arith.addi %add3A_2065, %add3A_2067 : vector<128x512xi32>
    %add3A_2069 = arith.addi %add3A_2062, %add3A_2068 : vector<128x512xi32>
    %shift_left3A_2070 = arith.constant 17 : i32
    %shift_left3A_2071 = vector.broadcast %shift_left3A_2070 : i32 to vector<128x512xi32>
    %shift_left3A_2072 = arith.shli %add3A_2068, %shift_left3A_2071 : vector<128x512xi32>
    %shift_right_logical3A_2073 = arith.constant 15 : i32
    %shift_right_logical3A_2074 = vector.broadcast %shift_right_logical3A_2073 : i32 to vector<128x512xi32>
    %shift_right_logical3A_2075 = arith.shrui %add3A_2068, %shift_right_logical3A_2074 : vector<128x512xi32>
    %or3A_2076 = arith.ori %shift_left3A_2072, %shift_right_logical3A_2075 : vector<128x512xi32>
    %xor3A_2077 = arith.xori %add3A_2069, %or3A_2076 : vector<128x512xi32>
    %add3A_2078 = arith.addi %add3A_2069, %xor3A_2077 : vector<128x512xi32>
    %shift_left3A_2079 = arith.constant 29 : i32
    %shift_left3A_2080 = vector.broadcast %shift_left3A_2079 : i32 to vector<128x512xi32>
    %shift_left3A_2081 = arith.shli %xor3A_2077, %shift_left3A_2080 : vector<128x512xi32>
    %shift_right_logical3A_2082 = arith.constant 3 : i32
    %shift_right_logical3A_2083 = vector.broadcast %shift_right_logical3A_2082 : i32 to vector<128x512xi32>
    %shift_right_logical3A_2084 = arith.shrui %xor3A_2077, %shift_right_logical3A_2083 : vector<128x512xi32>
    %or3A_2085 = arith.ori %shift_left3A_2081, %shift_right_logical3A_2084 : vector<128x512xi32>
    %xor3A_2086 = arith.xori %add3A_2078, %or3A_2085 : vector<128x512xi32>
    %add3A_2087 = arith.addi %add3A_2078, %xor3A_2086 : vector<128x512xi32>
    %shift_left3A_2088 = arith.constant 16 : i32
    %shift_left3A_2089 = vector.broadcast %shift_left3A_2088 : i32 to vector<128x512xi32>
    %shift_left3A_2090 = arith.shli %xor3A_2086, %shift_left3A_2089 : vector<128x512xi32>
    %shift_right_logical3A_2091 = arith.constant 16 : i32
    %shift_right_logical3A_2092 = vector.broadcast %shift_right_logical3A_2091 : i32 to vector<128x512xi32>
    %shift_right_logical3A_2093 = arith.shrui %xor3A_2086, %shift_right_logical3A_2092 : vector<128x512xi32>
    %or3A_2094 = arith.ori %shift_left3A_2090, %shift_right_logical3A_2093 : vector<128x512xi32>
    %xor3A_2095 = arith.xori %add3A_2087, %or3A_2094 : vector<128x512xi32>
    %add3A_2096 = arith.addi %add3A_2087, %xor3A_2095 : vector<128x512xi32>
    %shift_left3A_2097 = arith.constant 24 : i32
    %shift_left3A_2098 = vector.broadcast %shift_left3A_2097 : i32 to vector<128x512xi32>
    %shift_left3A_2099 = arith.shli %xor3A_2095, %shift_left3A_2098 : vector<128x512xi32>
    %shift_right_logical3A_2100 = arith.constant 8 : i32
    %shift_right_logical3A_2101 = vector.broadcast %shift_right_logical3A_2100 : i32 to vector<128x512xi32>
    %shift_right_logical3A_2102 = arith.shrui %xor3A_2095, %shift_right_logical3A_2101 : vector<128x512xi32>
    %or3A_2103 = arith.ori %shift_left3A_2099, %shift_right_logical3A_2102 : vector<128x512xi32>
    %xor3A_2104 = arith.xori %add3A_2096, %or3A_2103 : vector<128x512xi32>
    %add3A_2105 = arith.constant 466689008 : i32
    %add3A_2106 = vector.broadcast %add3A_2105 : i32 to vector<128x512xi32>
    %add3A_2107 = arith.addi %add3A_2096, %add3A_2106 : vector<128x512xi32>
    %add3A_2108 = arith.constant 0 : i32
    %add3A_2109 = vector.broadcast %add3A_2108 : i32 to vector<128x512xi32>
    %add3A_2110 = arith.addi %xor3A_2104, %add3A_2109 : vector<128x512xi32>
    %add3A_2111 = arith.constant 2 : i32
    %add3A_2112 = vector.broadcast %add3A_2111 : i32 to vector<128x512xi32>
    %add3A_2113 = arith.addi %add3A_2110, %add3A_2112 : vector<128x512xi32>
    %add3A_2114 = arith.addi %add3A_2107, %add3A_2113 : vector<128x512xi32>
    %shift_left3A_2115 = arith.constant 13 : i32
    %shift_left3A_2116 = vector.broadcast %shift_left3A_2115 : i32 to vector<128x512xi32>
    %shift_left3A_2117 = arith.shli %add3A_2113, %shift_left3A_2116 : vector<128x512xi32>
    %shift_right_logical3A_2118 = arith.constant 19 : i32
    %shift_right_logical3A_2119 = vector.broadcast %shift_right_logical3A_2118 : i32 to vector<128x512xi32>
    %shift_right_logical3A_2120 = arith.shrui %add3A_2113, %shift_right_logical3A_2119 : vector<128x512xi32>
    %or3A_2121 = arith.ori %shift_left3A_2117, %shift_right_logical3A_2120 : vector<128x512xi32>
    %xor3A_2122 = arith.xori %add3A_2114, %or3A_2121 : vector<128x512xi32>
    %add3A_2123 = arith.addi %add3A_2114, %xor3A_2122 : vector<128x512xi32>
    %shift_left3A_2124 = arith.constant 15 : i32
    %shift_left3A_2125 = vector.broadcast %shift_left3A_2124 : i32 to vector<128x512xi32>
    %shift_left3A_2126 = arith.shli %xor3A_2122, %shift_left3A_2125 : vector<128x512xi32>
    %shift_right_logical3A_2127 = arith.constant 17 : i32
    %shift_right_logical3A_2128 = vector.broadcast %shift_right_logical3A_2127 : i32 to vector<128x512xi32>
    %shift_right_logical3A_2129 = arith.shrui %xor3A_2122, %shift_right_logical3A_2128 : vector<128x512xi32>
    %or3A_2130 = arith.ori %shift_left3A_2126, %shift_right_logical3A_2129 : vector<128x512xi32>
    %xor3A_2131 = arith.xori %add3A_2123, %or3A_2130 : vector<128x512xi32>
    %add3A_2132 = arith.addi %add3A_2123, %xor3A_2131 : vector<128x512xi32>
    %shift_left3A_2133 = arith.constant 26 : i32
    %shift_left3A_2134 = vector.broadcast %shift_left3A_2133 : i32 to vector<128x512xi32>
    %shift_left3A_2135 = arith.shli %xor3A_2131, %shift_left3A_2134 : vector<128x512xi32>
    %shift_right_logical3A_2136 = arith.constant 6 : i32
    %shift_right_logical3A_2137 = vector.broadcast %shift_right_logical3A_2136 : i32 to vector<128x512xi32>
    %shift_right_logical3A_2138 = arith.shrui %xor3A_2131, %shift_right_logical3A_2137 : vector<128x512xi32>
    %or3A_2139 = arith.ori %shift_left3A_2135, %shift_right_logical3A_2138 : vector<128x512xi32>
    %xor3A_2140 = arith.xori %add3A_2132, %or3A_2139 : vector<128x512xi32>
    %add3A_2141 = arith.addi %add3A_2132, %xor3A_2140 : vector<128x512xi32>
    %shift_left3A_2142 = arith.constant 6 : i32
    %shift_left3A_2143 = vector.broadcast %shift_left3A_2142 : i32 to vector<128x512xi32>
    %shift_left3A_2144 = arith.shli %xor3A_2140, %shift_left3A_2143 : vector<128x512xi32>
    %shift_right_logical3A_2145 = arith.constant 26 : i32
    %shift_right_logical3A_2146 = vector.broadcast %shift_right_logical3A_2145 : i32 to vector<128x512xi32>
    %shift_right_logical3A_2147 = arith.shrui %xor3A_2140, %shift_right_logical3A_2146 : vector<128x512xi32>
    %or3A_2148 = arith.ori %shift_left3A_2144, %shift_right_logical3A_2147 : vector<128x512xi32>
    %xor3A_2149 = arith.xori %add3A_2141, %or3A_2148 : vector<128x512xi32>
    %add3A_2150 = arith.constant 0 : i32
    %add3A_2151 = vector.broadcast %add3A_2150 : i32 to vector<128x512xi32>
    %add3A_2152 = arith.addi %add3A_2141, %add3A_2151 : vector<128x512xi32>
    %add3A_2153 = arith.constant 42 : i32
    %add3A_2154 = vector.broadcast %add3A_2153 : i32 to vector<128x512xi32>
    %add3A_2155 = arith.addi %xor3A_2149, %add3A_2154 : vector<128x512xi32>
    %add3A_2156 = arith.constant 3 : i32
    %add3A_2157 = vector.broadcast %add3A_2156 : i32 to vector<128x512xi32>
    %add3A_2158 = arith.addi %add3A_2155, %add3A_2157 : vector<128x512xi32>
    %add3A_2159 = arith.addi %add3A_2152, %add3A_2158 : vector<128x512xi32>
    %shift_left3A_2160 = arith.constant 17 : i32
    %shift_left3A_2161 = vector.broadcast %shift_left3A_2160 : i32 to vector<128x512xi32>
    %shift_left3A_2162 = arith.shli %add3A_2158, %shift_left3A_2161 : vector<128x512xi32>
    %shift_right_logical3A_2163 = arith.constant 15 : i32
    %shift_right_logical3A_2164 = vector.broadcast %shift_right_logical3A_2163 : i32 to vector<128x512xi32>
    %shift_right_logical3A_2165 = arith.shrui %add3A_2158, %shift_right_logical3A_2164 : vector<128x512xi32>
    %or3A_2166 = arith.ori %shift_left3A_2162, %shift_right_logical3A_2165 : vector<128x512xi32>
    %xor3A_2167 = arith.xori %add3A_2159, %or3A_2166 : vector<128x512xi32>
    %add3A_2168 = arith.addi %add3A_2159, %xor3A_2167 : vector<128x512xi32>
    %shift_left3A_2169 = arith.constant 29 : i32
    %shift_left3A_2170 = vector.broadcast %shift_left3A_2169 : i32 to vector<128x512xi32>
    %shift_left3A_2171 = arith.shli %xor3A_2167, %shift_left3A_2170 : vector<128x512xi32>
    %shift_right_logical3A_2172 = arith.constant 3 : i32
    %shift_right_logical3A_2173 = vector.broadcast %shift_right_logical3A_2172 : i32 to vector<128x512xi32>
    %shift_right_logical3A_2174 = arith.shrui %xor3A_2167, %shift_right_logical3A_2173 : vector<128x512xi32>
    %or3A_2175 = arith.ori %shift_left3A_2171, %shift_right_logical3A_2174 : vector<128x512xi32>
    %xor3A_2176 = arith.xori %add3A_2168, %or3A_2175 : vector<128x512xi32>
    %add3A_2177 = arith.addi %add3A_2168, %xor3A_2176 : vector<128x512xi32>
    %shift_left3A_2178 = arith.constant 16 : i32
    %shift_left3A_2179 = vector.broadcast %shift_left3A_2178 : i32 to vector<128x512xi32>
    %shift_left3A_2180 = arith.shli %xor3A_2176, %shift_left3A_2179 : vector<128x512xi32>
    %shift_right_logical3A_2181 = arith.constant 16 : i32
    %shift_right_logical3A_2182 = vector.broadcast %shift_right_logical3A_2181 : i32 to vector<128x512xi32>
    %shift_right_logical3A_2183 = arith.shrui %xor3A_2176, %shift_right_logical3A_2182 : vector<128x512xi32>
    %or3A_2184 = arith.ori %shift_left3A_2180, %shift_right_logical3A_2183 : vector<128x512xi32>
    %xor3A_2185 = arith.xori %add3A_2177, %or3A_2184 : vector<128x512xi32>
    %add3A_2186 = arith.addi %add3A_2177, %xor3A_2185 : vector<128x512xi32>
    %shift_left3A_2187 = arith.constant 24 : i32
    %shift_left3A_2188 = vector.broadcast %shift_left3A_2187 : i32 to vector<128x512xi32>
    %shift_left3A_2189 = arith.shli %xor3A_2185, %shift_left3A_2188 : vector<128x512xi32>
    %shift_right_logical3A_2190 = arith.constant 8 : i32
    %shift_right_logical3A_2191 = vector.broadcast %shift_right_logical3A_2190 : i32 to vector<128x512xi32>
    %shift_right_logical3A_2192 = arith.shrui %xor3A_2185, %shift_right_logical3A_2191 : vector<128x512xi32>
    %or3A_2193 = arith.ori %shift_left3A_2189, %shift_right_logical3A_2192 : vector<128x512xi32>
    %xor3A_2194 = arith.xori %add3A_2186, %or3A_2193 : vector<128x512xi32>
    %add3A_2195 = arith.constant 42 : i32
    %add3A_2196 = vector.broadcast %add3A_2195 : i32 to vector<128x512xi32>
    %add3A_2197 = arith.addi %add3A_2186, %add3A_2196 : vector<128x512xi32>
    %add3A_2198 = arith.constant 466689008 : i32
    %add3A_2199 = vector.broadcast %add3A_2198 : i32 to vector<128x512xi32>
    %add3A_2200 = arith.addi %xor3A_2194, %add3A_2199 : vector<128x512xi32>
    %add3A_2201 = arith.constant 4 : i32
    %add3A_2202 = vector.broadcast %add3A_2201 : i32 to vector<128x512xi32>
    %add3A_2203 = arith.addi %add3A_2200, %add3A_2202 : vector<128x512xi32>
    %add3A_2204 = arith.addi %add3A_2197, %add3A_2203 : vector<128x512xi32>
    %shift_left3A_2205 = arith.constant 13 : i32
    %shift_left3A_2206 = vector.broadcast %shift_left3A_2205 : i32 to vector<128x512xi32>
    %shift_left3A_2207 = arith.shli %add3A_2203, %shift_left3A_2206 : vector<128x512xi32>
    %shift_right_logical3A_2208 = arith.constant 19 : i32
    %shift_right_logical3A_2209 = vector.broadcast %shift_right_logical3A_2208 : i32 to vector<128x512xi32>
    %shift_right_logical3A_2210 = arith.shrui %add3A_2203, %shift_right_logical3A_2209 : vector<128x512xi32>
    %or3A_2211 = arith.ori %shift_left3A_2207, %shift_right_logical3A_2210 : vector<128x512xi32>
    %xor3A_2212 = arith.xori %add3A_2204, %or3A_2211 : vector<128x512xi32>
    %add3A_2213 = arith.addi %add3A_2204, %xor3A_2212 : vector<128x512xi32>
    %shift_left3A_2214 = arith.constant 15 : i32
    %shift_left3A_2215 = vector.broadcast %shift_left3A_2214 : i32 to vector<128x512xi32>
    %shift_left3A_2216 = arith.shli %xor3A_2212, %shift_left3A_2215 : vector<128x512xi32>
    %shift_right_logical3A_2217 = arith.constant 17 : i32
    %shift_right_logical3A_2218 = vector.broadcast %shift_right_logical3A_2217 : i32 to vector<128x512xi32>
    %shift_right_logical3A_2219 = arith.shrui %xor3A_2212, %shift_right_logical3A_2218 : vector<128x512xi32>
    %or3A_2220 = arith.ori %shift_left3A_2216, %shift_right_logical3A_2219 : vector<128x512xi32>
    %xor3A_2221 = arith.xori %add3A_2213, %or3A_2220 : vector<128x512xi32>
    %add3A_2222 = arith.addi %add3A_2213, %xor3A_2221 : vector<128x512xi32>
    %shift_left3A_2223 = arith.constant 26 : i32
    %shift_left3A_2224 = vector.broadcast %shift_left3A_2223 : i32 to vector<128x512xi32>
    %shift_left3A_2225 = arith.shli %xor3A_2221, %shift_left3A_2224 : vector<128x512xi32>
    %shift_right_logical3A_2226 = arith.constant 6 : i32
    %shift_right_logical3A_2227 = vector.broadcast %shift_right_logical3A_2226 : i32 to vector<128x512xi32>
    %shift_right_logical3A_2228 = arith.shrui %xor3A_2221, %shift_right_logical3A_2227 : vector<128x512xi32>
    %or3A_2229 = arith.ori %shift_left3A_2225, %shift_right_logical3A_2228 : vector<128x512xi32>
    %xor3A_2230 = arith.xori %add3A_2222, %or3A_2229 : vector<128x512xi32>
    %add3A_2231 = arith.addi %add3A_2222, %xor3A_2230 : vector<128x512xi32>
    %shift_left3A_2232 = arith.constant 6 : i32
    %shift_left3A_2233 = vector.broadcast %shift_left3A_2232 : i32 to vector<128x512xi32>
    %shift_left3A_2234 = arith.shli %xor3A_2230, %shift_left3A_2233 : vector<128x512xi32>
    %shift_right_logical3A_2235 = arith.constant 26 : i32
    %shift_right_logical3A_2236 = vector.broadcast %shift_right_logical3A_2235 : i32 to vector<128x512xi32>
    %shift_right_logical3A_2237 = arith.shrui %xor3A_2230, %shift_right_logical3A_2236 : vector<128x512xi32>
    %or3A_2238 = arith.ori %shift_left3A_2234, %shift_right_logical3A_2237 : vector<128x512xi32>
    %xor3A_2239 = arith.xori %add3A_2231, %or3A_2238 : vector<128x512xi32>
    %add3A_2240 = arith.constant 466689008 : i32
    %add3A_2241 = vector.broadcast %add3A_2240 : i32 to vector<128x512xi32>
    %add3A_2242 = arith.addi %add3A_2231, %add3A_2241 : vector<128x512xi32>
    %add3A_2243 = arith.constant 0 : i32
    %add3A_2244 = vector.broadcast %add3A_2243 : i32 to vector<128x512xi32>
    %add3A_2245 = arith.addi %xor3A_2239, %add3A_2244 : vector<128x512xi32>
    %add3A_2246 = arith.constant 5 : i32
    %add3A_2247 = vector.broadcast %add3A_2246 : i32 to vector<128x512xi32>
    %add3A_2248 = arith.addi %add3A_2245, %add3A_2247 : vector<128x512xi32>
    %xor3A_2249 = arith.xori %add3A_2242, %add3A_2248 : vector<128x512xi32>
    %shift_right_logical3A_2250 = arith.constant 9 : i32
    %shift_right_logical3A_2251 = vector.broadcast %shift_right_logical3A_2250 : i32 to vector<128x512xi32>
    %shift_right_logical3A_2252 = arith.shrui %xor3A_2249, %shift_right_logical3A_2251 : vector<128x512xi32>
    %or3A_2253 = arith.constant 1065353216 : i32
    %or3A_2254 = vector.broadcast %or3A_2253 : i32 to vector<128x512xi32>
    %or3A_2255 = arith.ori %shift_right_logical3A_2252, %or3A_2254 : vector<128x512xi32>
    %bitcast_convert_type3A_2256 = tpu.bitcast %or3A_2255 : vector<128x512xi32> -> vector<128x512xf32>
    %sub3A_2257 = arith.constant 1.000000e+00 : f32
    %sub3A_2258 = vector.broadcast %sub3A_2257 : f32 to vector<128x512xf32>
    %sub3A_2259 = arith.subf %bitcast_convert_type3A_2256, %sub3A_2258 : vector<128x512xf32>
    %add3A_2260 = arith.constant 9.99999968E-21 : f32
    %add3A_2261 = vector.broadcast %add3A_2260 : f32 to vector<128x512xf32>
    %add3A_2262 = arith.addf %sub3A_2259, %add3A_2261 : vector<128x512xf32>
    %log3A_2263 = math.log %add3A_2262 : vector<128x512xf32>
    %neg3A_2264 = arith.constant 0.000000e+00 : f32
    %neg3A_2265 = vector.broadcast %neg3A_2264 : f32 to vector<128x512xf32>
    %neg3A_2266 = arith.subf %neg3A_2265, %log3A_2263 : vector<128x512xf32>
    %add3A_2267 = arith.constant 9.99999968E-21 : f32
    %add3A_2268 = vector.broadcast %add3A_2267 : f32 to vector<128x512xf32>
    %add3A_2269 = arith.addf %neg3A_2266, %add3A_2268 : vector<128x512xf32>
    %log3A_2270 = math.log %add3A_2269 : vector<128x512xf32>
    %neg3A_2271 = arith.constant 0.000000e+00 : f32
    %neg3A_2272 = vector.broadcast %neg3A_2271 : f32 to vector<128x512xf32>
    %neg3A_2273 = arith.subf %neg3A_2272, %log3A_2270 : vector<128x512xf32>
    %add3A_2274 = arith.addf %get3A_2009, %neg3A_2273 : vector<128x512xf32>
    %lt3A_2275 = arith.constant 100000 : i32
    %lt3A_2276 = vector.broadcast %lt3A_2275 : i32 to vector<128x512xi32>
    %lt3A_2277 = arith.cmpi slt, %add3A_2012, %lt3A_2276 : vector<128x512xi32>
    %jit3A_2278 = arith.constant 0xFF800000 : f32
    %broadcast_in_dim3A_2279 = vector.broadcast %jit3A_2278 : f32 to vector<128x512xf32>
    %select_n3A_2280 = arith.select %lt3A_2277, %add3A_2274, %broadcast_in_dim3A_2279 : vector<128x512xi1>, vector<128x512xf32>
    %reduce_max3A_2281 = arith.constant dense<0xFF800000> : vector<128xf32>
    %reduce_max3A_2282 = vector.multi_reduction <maximumf>, %select_n3A_2280, %reduce_max3A_2281 [1] : vector<128x512xf32> to vector<128xf32>
    %broadcast_in_dim3A_2283 = vector.shape_cast %reduce_max3A_2282 : vector<128xf32> to vector<128x1xf32>
    %eq3A_2284 = vector.broadcast %broadcast_in_dim3A_2283 : vector<128x1xf32> to vector<128x512xf32>
    %eq3A_2285 = arith.cmpf oeq, %select_n3A_2280, %eq3A_2284 : vector<128x512xf32>
    %jit3A_2286 = arith.constant 2147483647 : i32
    %broadcast_in_dim3A_2287 = vector.broadcast %jit3A_2286 : i32 to vector<128x512xi32>
    %select_n3A_2288 = arith.select %eq3A_2285, %add3A_2012, %broadcast_in_dim3A_2287 : vector<128x512xi1>, vector<128x512xi32>
    %reduce_min3A_2289 = arith.constant dense<2147483647> : vector<128xi32>
    %reduce_min3A_2290 = vector.multi_reduction <minsi>, %select_n3A_2288, %reduce_min3A_2289 [1] : vector<128x512xi32> to vector<128xi32>
    %broadcast_in_dim3A_2291 = vector.shape_cast %reduce_min3A_2290 : vector<128xi32> to vector<128x1xi32>
    %gt3A_2292 = arith.cmpf ogt, %broadcast_in_dim3A_2283, %select_n3A_2005 : vector<128x1xf32>
    %select_n3A_2293 = arith.select %gt3A_2292, %broadcast_in_dim3A_2283, %select_n3A_2005 : vector<128x1xi1>, vector<128x1xf32>
    %select_n3A_2294 = arith.select %gt3A_2292, %broadcast_in_dim3A_2291, %select_n3A_2006 : vector<128x1xi1>, vector<128x1xi32>
    %swap3A_2295 = arith.constant 0 : index
    %swap3A_2296 = arith.constant 0 : index
    %swap3A_2297 = arith.constant 0 : index
    %swap3A_2298 = vector.load %arg3[%swap3A_2295, %swap3A_2296, %swap3A_2297] : memref<1x128x1xf32, #tpu.memory_space<vmem>>, vector<1x128x1xf32>
    %swap3A_2299 = vector.shape_cast %swap3A_2298 : vector<1x128x1xf32> to vector<128x1xf32>
    %swap3A_2300 = vector.shape_cast %select_n3A_2293 : vector<128x1xf32> to vector<1x128x1xf32>
    tpu.vector_store %arg3[%swap3A_2295, %swap3A_2296, %swap3A_2297], %swap3A_2300 {strides = array<i32>} : memref<1x128x1xf32, #tpu.memory_space<vmem>>, vector<1x128x1xf32>,
    %swap3A_2301 = arith.constant 0 : index
    %swap3A_2302 = arith.constant 0 : index
    %swap3A_2303 = arith.constant 0 : index
    %swap3A_2304 = vector.load %arg4[%swap3A_2301, %swap3A_2302, %swap3A_2303] : memref<1x128x1xi32, #tpu.memory_space<vmem>>, vector<1x128x1xi32>
    %swap3A_2305 = vector.shape_cast %swap3A_2304 : vector<1x128x1xi32> to vector<128x1xi32>
    %swap3A_2306 = vector.shape_cast %select_n3A_2294 : vector<128x1xi32> to vector<1x128x1xi32>
    tpu.vector_store %arg4[%swap3A_2301, %swap3A_2302, %swap3A_2303], %swap3A_2306 {strides = array<i32>} : memref<1x128x1xi32, #tpu.memory_space<vmem>>, vector<1x128x1xi32>,
    return
  }
  func.func @transform_0(%arg0: i32) -> (i32, i32) {
    %c0_i32 = arith.constant 0 : i32
    %c0_i32_0 = arith.constant 0 : i32
    return %c0_i32, %arg0 : i32, i32
  }
  func.func @transform_1(%arg0: i32) -> (i32, i32) {
    %c0_i32 = arith.constant 0 : i32
    %c0_i32_0 = arith.constant 0 : i32
    return %c0_i32, %arg0 : i32, i32
  }
  func.func @transform_2(%arg0: i32) -> (i32, i32, i32) {
    %c0_i32 = arith.constant 0 : i32
    %c0_i32_0 = arith.constant 0 : i32
    %c0_i32_1 = arith.constant 0 : i32
    return %arg0, %c0_i32, %c0_i32_0 : i32, i32, i32
  }
  func.func @transform_3(%arg0: i32) -> (i32, i32, i32) {
    %c0_i32 = arith.constant 0 : i32
    %c0_i32_0 = arith.constant 0 : i32
    %c0_i32_1 = arith.constant 0 : i32
    return %arg0, %c0_i32, %c0_i32_0 : i32, i32, i32
  }
}

module attributes {stable_mosaic.version = 14 : i64} {
  func.func @_scatter_kernel(%arg0: i32, %arg1: memref<128xi32, #tpu.memory_space<smem>>, %arg2: memref<1x8x500xf32, #tpu.memory_space<vmem>>, %arg3: memref<1x8x500xf32, #tpu.memory_space<vmem>>) attributes {dimension_semantics = [#tpu.dimension_semantics<arbitrary>], iteration_bounds = array<i64: 128>, scalar_prefetch = 1 : i64, scratch_operands = 0 : i64, tpu.core_type = #tpu.core_type<tc>, window_params = [{transform_indices = @transform_0, window_bounds = array<i64: 1, 8, 500>}, {transform_indices = @transform_1, window_bounds = array<i64: 1, 8, 500>}]} {
    %get3A = arith.index_cast %arg0 : i32 to index
    %get3A_0 = memref.load %arg1[%get3A] : memref<128xi32, #tpu.memory_space<smem>>
    %jit3A = arith.constant 4000 : i32
    %div3A = arith.divsi %get3A_0, %jit3A : i32
    %sign3A = arith.constant 0 : i32
    %sign3A_1 = arith.cmpi sgt, %get3A_0, %sign3A : i32
    %sign3A_2 = arith.extui %sign3A_1 : i1 to i32
    %sign3A_3 = arith.constant 0 : i32
    %sign3A_4 = arith.cmpi slt, %get3A_0, %sign3A_3 : i32
    %sign3A_5 = arith.extui %sign3A_4 : i1 to i32
    %sign3A_6 = arith.subi %sign3A_2, %sign3A_5 : i32
    %sign3A_7 = arith.constant 0 : i32
    %sign3A_8 = arith.cmpi sgt, %jit3A, %sign3A_7 : i32
    %sign3A_9 = arith.extui %sign3A_8 : i1 to i32
    %sign3A_10 = arith.constant 0 : i32
    %sign3A_11 = arith.cmpi slt, %jit3A, %sign3A_10 : i32
    %sign3A_12 = arith.extui %sign3A_11 : i1 to i32
    %sign3A_13 = arith.subi %sign3A_9, %sign3A_12 : i32
    %ne3A = arith.cmpi ne, %sign3A_6, %sign3A_13 : i32
    %rem3A = arith.remsi %get3A_0, %jit3A : i32
    %ne3A_14 = arith.constant 0 : i32
    %ne3A_15 = arith.cmpi ne, %rem3A, %ne3A_14 : i32
    %and3A = arith.andi %ne3A, %ne3A_15 : i1
    %sub3A = arith.constant 1 : i32
    %sub3A_16 = arith.subi %div3A, %sub3A : i32
    %select_n3A = arith.select %and3A, %sub3A_16, %div3A : i32
    %iota3A = tpu.iota {dimensions = array<i32: 1>} : vector<1x8x500xi32>
    %iota3A_17 = tpu.iota {dimensions = array<i32: 2>} : vector<1x8x500xi32>
    %mul3A = arith.constant 8 : i32
    %mul3A_18 = arith.muli %select_n3A, %mul3A : i32
    %add3A = vector.broadcast %mul3A_18 : i32 to vector<1x8x500xi32>
    %add3A_19 = arith.addi %add3A, %iota3A : vector<1x8x500xi32>
    %mul3A_20 = arith.constant 500 : i32
    %mul3A_21 = vector.broadcast %mul3A_20 : i32 to vector<1x8x500xi32>
    %mul3A_22 = arith.muli %add3A_19, %mul3A_21 : vector<1x8x500xi32>
    %add3A_23 = arith.addi %mul3A_22, %iota3A_17 : vector<1x8x500xi32>
    %eq3A = vector.broadcast %get3A_0 : i32 to vector<1x8x500xi32>
    %eq3A_24 = arith.cmpi eq, %add3A_23, %eq3A : vector<1x8x500xi32>
    %convert_element_type3A = arith.extui %eq3A_24 : vector<1x8x500xi1> to vector<1x8x500xi32>
    %convert_element_type3A_25 = arith.sitofp %convert_element_type3A : vector<1x8x500xi32> to vector<1x8x500xf32>
    %swap3A = arith.constant 0 : index
    %swap3A_26 = arith.constant 0 : index
    %swap3A_27 = arith.constant 0 : index
    %swap3A_28 = vector.load %arg3[%swap3A, %swap3A_26, %swap3A_27] : memref<1x8x500xf32, #tpu.memory_space<vmem>>, vector<1x8x500xf32>
    tpu.vector_store %arg3[%swap3A, %swap3A_26, %swap3A_27], %convert_element_type3A_25 {strides = array<i32>} : memref<1x8x500xf32, #tpu.memory_space<vmem>>, vector<1x8x500xf32>,
    return
  }
  func.func @transform_0(%arg0: i32, %arg1: memref<128xi32, #tpu.memory_space<smem>>) -> (i32, i32, i32) {
    %get3A = arith.index_cast %arg0 : i32 to index
    %get3A_0 = memref.load %arg1[%get3A] : memref<128xi32, #tpu.memory_space<smem>>
    %jit3A = arith.constant 4000 : i32
    %div3A = arith.divsi %get3A_0, %jit3A : i32
    %sign3A = arith.constant 0 : i32
    %sign3A_1 = arith.cmpi sgt, %get3A_0, %sign3A : i32
    %sign3A_2 = arith.extui %sign3A_1 : i1 to i32
    %sign3A_3 = arith.constant 0 : i32
    %sign3A_4 = arith.cmpi slt, %get3A_0, %sign3A_3 : i32
    %sign3A_5 = arith.extui %sign3A_4 : i1 to i32
    %sign3A_6 = arith.subi %sign3A_2, %sign3A_5 : i32
    %sign3A_7 = arith.constant 0 : i32
    %sign3A_8 = arith.cmpi sgt, %jit3A, %sign3A_7 : i32
    %sign3A_9 = arith.extui %sign3A_8 : i1 to i32
    %sign3A_10 = arith.constant 0 : i32
    %sign3A_11 = arith.cmpi slt, %jit3A, %sign3A_10 : i32
    %sign3A_12 = arith.extui %sign3A_11 : i1 to i32
    %sign3A_13 = arith.subi %sign3A_9, %sign3A_12 : i32
    %ne3A = arith.cmpi ne, %sign3A_6, %sign3A_13 : i32
    %rem3A = arith.remsi %get3A_0, %jit3A : i32
    %ne3A_14 = arith.constant 0 : i32
    %ne3A_15 = arith.cmpi ne, %rem3A, %ne3A_14 : i32
    %and3A = arith.andi %ne3A, %ne3A_15 : i1
    %sub3A = arith.constant 1 : i32
    %sub3A_16 = arith.subi %div3A, %sub3A : i32
    %select_n3A = arith.select %and3A, %sub3A_16, %div3A : i32
    %c0_i32 = arith.constant 0 : i32
    %c0_i32_17 = arith.constant 0 : i32
    return %arg0, %select_n3A, %c0_i32 : i32, i32, i32
  }
  func.func @transform_1(%arg0: i32, %arg1: memref<128xi32, #tpu.memory_space<smem>>) -> (i32, i32, i32) {
    %get3A = arith.index_cast %arg0 : i32 to index
    %get3A_0 = memref.load %arg1[%get3A] : memref<128xi32, #tpu.memory_space<smem>>
    %jit3A = arith.constant 4000 : i32
    %div3A = arith.divsi %get3A_0, %jit3A : i32
    %sign3A = arith.constant 0 : i32
    %sign3A_1 = arith.cmpi sgt, %get3A_0, %sign3A : i32
    %sign3A_2 = arith.extui %sign3A_1 : i1 to i32
    %sign3A_3 = arith.constant 0 : i32
    %sign3A_4 = arith.cmpi slt, %get3A_0, %sign3A_3 : i32
    %sign3A_5 = arith.extui %sign3A_4 : i1 to i32
    %sign3A_6 = arith.subi %sign3A_2, %sign3A_5 : i32
    %sign3A_7 = arith.constant 0 : i32
    %sign3A_8 = arith.cmpi sgt, %jit3A, %sign3A_7 : i32
    %sign3A_9 = arith.extui %sign3A_8 : i1 to i32
    %sign3A_10 = arith.constant 0 : i32
    %sign3A_11 = arith.cmpi slt, %jit3A, %sign3A_10 : i32
    %sign3A_12 = arith.extui %sign3A_11 : i1 to i32
    %sign3A_13 = arith.subi %sign3A_9, %sign3A_12 : i32
    %ne3A = arith.cmpi ne, %sign3A_6, %sign3A_13 : i32
    %rem3A = arith.remsi %get3A_0, %jit3A : i32
    %ne3A_14 = arith.constant 0 : i32
    %ne3A_15 = arith.cmpi ne, %rem3A, %ne3A_14 : i32
    %and3A = arith.andi %ne3A, %ne3A_15 : i1
    %sub3A = arith.constant 1 : i32
    %sub3A_16 = arith.subi %div3A, %sub3A : i32
    %select_n3A = arith.select %and3A, %sub3A_16, %div3A : i32
    %c0_i32 = arith.constant 0 : i32
    %c0_i32_17 = arith.constant 0 : i32
    return %arg0, %select_n3A, %c0_i32 : i32, i32, i32
  }
}

</mosaic_0001>

<sc_bundles>
// kernel: sparse-core-data-format-call.cloned.1.call-start
scs
called_computation_lowered:
.L_overlay_start_0:
0x0: {  	s2 =	sld [smem:$0x3FD9]  }
0x1: {  	s3 =	sld [smem:$0x3FFE];
	_ =	sdelay $0x1  }
0x2: {  	s1 =	srdreg.scid  }
0x3: {  	s0 =	sand.u32 $0x1, s1  }
0x4: {  	s18 =	sshll.u32 s0, $0xA;
	s2 =	sadd.s32 s3, s2  }
0x5: {  	s2 =	sadd.s32 s2, s18  }
0x6: {  	[smem:$0x3FC7] =	sst s2  }
0x7: {  	_ = 	snop  }
0x8: {  	s2 =	sld [smem:$0x3FD0];
	(tm) =	ssettm $0x1  }
0x9: {  	s19 =	sld [smem:$0x3FFB];
	_ =	sdelay $0x3  }
0xa: {  	_ =	strace s19  }
0xb: {  	s3 =	sld [smem:$0x3FFC];
	_ =	sdelay $0x3  }
0xc: {  	_ =	strace s3  }
0xd: {  	s3 =	sld [smem:$0x3FFD];
	_ =	sdelay $0x3  }
0xe: {  	_ =	strace s3  }
0xf: {  	_ =	strace $0x8FFFFFFF  }
0x10: {  	s20 =	sld [smem:$0x3FDB];
	_ =	sdelay $0x1  }
0x11: {  	s4 =	simm.s32 $_scs_section_size  }
0x12: {  	s5 =	simm.s32 $_size__tile_overlayer_lowered;
	s6 =	simm.s32 $_tile_overlayer_lowered  }
0x13: {  	s23 =	simm.s32 $0x1BFF;
	s22 =	sshll.u32 s6, $0x1;
	s3 =	sadd.s32 s4, s20  }
0x14: {  	s7 =	simm.s32 $0x0;
	s21 =	sshll.u32 s5, $0x1;
	s5 =	sadd.s32 s22, s3  }
0x15: {  	[timem:s7], [sflag:s23] =	dma.local [hbm:s5], s21  }
0x16: {  	_ =	swait.ge [sflag:s23], s21  }
0x17: {  	s4 =	ssub.s32 $0x0, s21;
	[sflag:s23] =	ssyncset.done $0x0  }
0x18: {  	[sflag:s23] =	ssyncadd.s32 s4;
	_ =	sdelay $0x1  }
0x19: {  	s24 =	simm.s32 $0x1B8B  }
0x1a: {  	_ =	swait.ge [sflag:s24], $0x1  }
0x1b: {  	[sflag:s24] =	ssyncset.done $0x0  }
0x1c: {  	s26 =	simm.s32 $0x1B8E;
	s25 =	sld [smem:$0x3FFE];
	[sflag:s24] =	ssyncadd.s32 $0xFFFFFFFF  }
0x1d: {  	s27 =	simm.s32 $execute0_lowered;
	[smem:$0x3FD2] =	sst s26  }
0x1e: {  	s5 =	sshll.u32 s27, $0x1;
	_ =	strace $0x80000046;
	[dreg:$0x1] =	wrdreg $0xFFFFFFFF  }
0x1f: {  	s28 =	simm.s32 $_size_execute0_lowered;
	s3 =	sadd.s32 s3, s5;
	[dreg:$0x0] =	wrdreg $0x0  }
0x20: {  	s5 =	sshll.u32 s28, $0x1;
	[dreg:$0x2] =	wrdreg s3  }
0x21: {  	[dreg:$0x3] =	wrdreg s5  }
0x22: {  	[dreg:$0x4] =	wrdreg $0xC0  }
0x23: {  	_ =	task [dreg:s7], $0x5FFFF  }
0x24: {  	[dreg:$0x1] =	wrdreg $0xFFFFFFFF  }
0x25: {  	[dreg:$0x0] =	wrdreg $0x60  }
0x26: {  	[dreg:$0x2] =	wrdreg s25  }
0x27: {  	[dreg:$0x3] =	wrdreg s2  }
0x28: {  	[dreg:$0x4] =	wrdreg $0x9  }
0x29: {  	_ =	task.clear_ibuf [dreg:s7], $0x5FFFF;
	_ =	strace $0x90000046  }
0x2a: {  	s29 =	simm.s32 $0x9;
	_ =	strace $0x80000048  }
0x2b: {  	_ =	swait.ge [sflag:s29], $0x1  }
0x2c: {  	[sflag:s29] =	ssyncadd.s32 $0xFFFFFFFF  }
0x2d: {  	_ =	strace $0x90000048  }
0x2e: {  	_ =	sfence  }
0x2f: {  	s30 =	sld [smem:$0x0];
	_ =	sdelay $0x2  }
0x30: {  	s31 =	sshll.u32 s1, $0xD;
	s1 =	sshrl.u32 s1, $0x2  }
0x31: {  	s3 =	sand.u32 $0x4000, s31;
	s1 =	sadd.s32 s1, s30  }
0x32: {  	s0 =	sor.u32 s3, s0;
	s1 =	sshll.u32 s1, $0x11  }
0x33: {  	s0 =	sor.u32 s1, s0  }
0x34: {  	s0 =	sadd.s32 $0x8F2B, s0  }
0x35: {  	[sflag:s0] =	ssyncadd.remote.s32 $0x1  }
0x36: {  	_ =	sfence.sel $0xFFFF  }
0x37: {  	[dreg:$0x0] =	wrdreg $0xFFFFFFFF;
	(pc) =	sbr.abs _section_cstart, $3  }
0x38: {  	[dreg:$0x1] =	wrdreg $0xFFFFFFFF  }
0x39: {  	_ =	task.clear_ibuf [dreg:s7], $0x2FFFF;
	_ =	strace $0x9FFFFFFF  }
0x3a: {  	(tm) =	ssettm $0x7FFFFFFF  }
0x3b: {  	_ =	shalt  }
tec
execute0_lowered:
.L_overlay_start_1:
0x0: {  	(tag) =	ssettag $0x1  }
0x1: {  	s4 =	rddreg [dreg:$0x0]  }
0x2: {  	s0 =	srdreg.scid;
	s2 =	rddreg [dreg:$0x1]  }
0x3: {  	s1 =	stileid.u32;
	s5 =	simm.s32 $0x1;
	s7 =	simm.s32 $0x2  }
0x4: {  	s14 =	simm.s32 $0x0;
	p0 =	por $0x0, $0x0;
	s0 =	sshll.u32 s0, $0x4  }
0x5: {  	s13 =	simm.s32 $0x0;
	s8 =	simm.s32 $0x0;
	s3 =	sand.u32 $0x10, s0  }
.Ltmp0:
0x6: {  	s9 =	simm.s32 $0x0;
	s3 =	sor.u32 s1, s3;
	(pc) =	sbr.rel .LBB1_1-.Ltmp0, $4  }
0x7: {  	s11 =	simm.s32 $0x0;
	s12 =	simm.s32 $0x0;
	s3 =	sshll.u32 s3, $0x7  }
0x8: {  	s0 =	rddreg [dreg:$0x2];
	_ =	strace $0x80000047;
	s6 =	ssub.s32 $0x18680, s3  }
0x9: {  	s4 =	sadd.s32 $0x200, s4;
	[sflag:s5] =	ssyncpa.u1 $0x0;
	s6 =	sshrl.u32 s6, $0xC  }
0xa: {  	[sflag:s7] =	ssyncpa.u1 $0x0;
	s10 =	smov.u32 s3;
	s7 =	sadd.s32 $0x2, s6  }
.LBB1_5:
0xb: {  	p1 =	slt.u32 s12, $0x2  }
0xc: {  	p2 =	sgt.s32 @!p1 s14, $0x18620  }
0xd: {  	s15 =	smov.u32 s14;
	s16 =	sshra.s32 @!p1 s14, $0x1F;
	p2 =	por !p2, p1  }
0xe: {  	s14 =	sand.u32 @!p1 s16, s14;
	s15 =	simm.s32 @p2 $0x18620  }
0xf: {  	s14 =	ssub.s32 @!p1 s15, s14;
	s15 =	ssub.s32 @!p1 $0x0, s13  }
0x10: {  	s17 =	smov.u32 s11;
	s16 =	sadd.s32 @!p1 $0xFFFE79E0, s14;
	s13 =	smin.u32 @!p1 s13, s15  }
0x11: {  	s14 =	ssub.s32 @!p1 $0x186A0, s14;
	p2 =	sgt.s32 @!p1 s16, $0x7F;
	p3 =	sgt.s32 @!p1 s13, $0x7F  }
0x12: {  	s13 =	ssub.s32 @!p1 $0x80, s13;
	p2 =	por !p2, p1;
	p3 =	por !p3, p1  }
0x13: {  	s15 =	sadd.s32 $0x1000, s10;
	s14 =	simm.s32 @!p2 $0x0;
	s13 =	simm.s32 @!p3 $0x0  }
0x14: {  	p2 =	sgt.s32 s15, $0x1869F;
	s13 =	smul.u32 @!p1 s13, s14;
	s14 =	sadd.s32 $0x80, s11  }
0x15: {  	s17 =	smov.u32 @p2 s14  }
0x16: {  	s15 =	smov.u32 @p2 s3;
	p2 =	sgt.s32 s17, $0x7F  }
0x17: {  	s17 =	simm.s32 @p2 $0x0;
	p2 =	sne.s32 s12, s7  }
.Ltmp1:
0x18: {  	p0 =	por !p0, !p0;
	s16 =	simm.s32 @!p1 $0x2;
	(pc) =	sbr.rel @!p2 .LBB1_6-.Ltmp1, $4  }
0x19: {  	s14 =	smov.u32 s8;
	s8 =	smov.u32 s10;
	s13 =	sand.u32 @!p1 $0x3FFFFFFF, s13  }
0x1a: {  	s10 =	smov.u32 s15;
	_ =	swait.ge @!p1 [sflag:s16], s13;
	s18 =	ssub.s32 @!p1 $0x0, s13  }
0x1b: {  	s13 =	smov.u32 s9;
	s12 =	sadd.s32 $0x1, s12;
	[sflag:s16] =	ssyncset.done @!p1 $0x0  }
0x1c: {  	s9 =	smov.u32 s11;
	s11 =	smov.u32 s17;
	[sflag:s16] =	ssyncadd.s32 @!p1 s18  }
.LBB1_1:
0x1d: {  	p1 =	sgt.u32 s12, s6  }
0x1e: {  	s15 =	sshrl.u32 @!p1 s11, $0x3  }
0x1f: {  	s16 =	sshll.u32 @!p1 s10, $0x3;
	s15 =	smul.u32 @!p1 $0xC3800, s15  }
0x20: {  	s17 =	sshll.u32 @!p1 s11, $0x7;
	s16 =	sand.u32 @!p1 $0xFFFFFC00, s16  }
0x21: {  	s15 =	sadd.s32 @!p1 s15, s16;
	s16 =	sand.u32 @!p1 $0x380, s17  }
0x22: {  	s17 =	sand.u32 @!p1 $0x7F, s10;
	s15 =	sor.u32 @!p1 s16, s15  }
0x23: {  	s16 =	sor.u32 @!p1 s17, s15  }
0x24: {  	s17 =	smulhi.u32 @!p1 $0xA79C7B17, s16;
	_ =	sdelay $0x1  }
0x25: {  	s15 =	smulhi.u32 @!p1 $0xA79C7B17, s15;
	s17 =	sshrl.u32 @!p1 s17, $0x10  }
0x26: {  	s17 =	smul.u32 @!p1 $0x18700, s17  }
0x27: {  	s18 =	sxor.u32 @!p1 $0xFFFFFFFF, s12;
	s15 =	sshrl.u32 @!p1 s15, $0x10  }
0x28: {  	s18 =	sshll.u32 @!p1 s18, $0xE;
	s15 =	sand.u32 @!p1 $0x7F, s15;
	s16 =	ssub.s32 @!p1 s16, s17  }
0x29: {  	s15 =	smul.u32 @!p1 $0x30E0, s15;
	s17 =	sshrl.u32 @!p1 s16, $0x3;
	s16 =	sand.u32 @!p1 $0x7, s16  }
0x2a: {  	s18 =	sand.u32 @!p1 $0x4000, s18;
	s17 =	sadd.s32 @!p1 s4, s17;
	s16 =	sshll.u32 @!p1 s16, $0x12  }
0x2b: {  	s15 =	sadd.s32 @!p1 s15, s17;
	s16 =	sor.u32 @!p1 $0x400, s16;
	s17 =	simm.s32 @!p1 $0xC3800  }
0x2c: {  	[tilespmem:s18], [sflag:$0x1] =	stream.strided.gather @!p1 [hbm4b:s15+s16], $0x4000, s17, s16, $0x38;
	[tilespmem:$0x10100] =	vst v63  }
0x2d: {  	p1 =	seq.s32 s12, $0x0  }
0x2e: {  	p2 =	sge.u32 @!p1 s12, s7  }
0x2f: {  	p1 =	por p1, p2  }
.Ltmp2:
0x30: {  	_ = 	snop;
	(pc) =	sbr.rel @p1 .LBB1_5-.Ltmp2, $1  }
0x31: {  	_ =	sdelay $0x3  }
0x32: {  	s15 =	simm.s32 $0x1  }
0x33: {  	_ =	swait.ge [sflag:s5], $0x4000;
	s15 =	simm.s32 @!p0 $0x0  }
0x34: {  	[sflag:s5] =	ssyncset.done $0x0;
	s16 =	sshll.u32 s15, $0xE  }
0x35: {  	[sflag:s5] =	ssyncadd.s32 $0xFFFFC000;
	s16 =	sor.u32 $0x40, s16  }
0x36: {  	s15 =	smul.u32 $0x10200, s15;
	v0 =	vld [tilespmem:s16+$0x30]  }
0x37: {  	v1 =	vld [tilespmem:s16+$0xFFFFFFD0]  }
0x38: {  	s15 =	sshrl.u32 s15, $0x2;
	v5 =	vld [tilespmem:s16+$0xFFFFFFE0]  }
0x39: {  	v6 =	vld [tilespmem:s16+$0xFFFFFFF0];
	s18 =	sor.u32 $0x8000, s15  }
0x3a: {  	s31 =	sand.u32 $0x1, s12;
	v4 =	vld [tilespmem:s16+$0x0];
	s17 =	sadd.s32 $0x0, s18  }
0x3b: {  	v3 =	vld [tilespmem:s16+$0x10];
	s15 =	smul.u32 $0x10200, s31;
	[tilespmem:s17+$0x3870 ss:$0x81] =	vst.msk $0xffff, v0  }
0x3c: {  	v2 =	vld [tilespmem:s16+$0x20];
	[tilespmem:s17+$0x810 ss:$0x81] =	vst.msk $0xffff, v1  }
0x3d: {  	s15 =	sshrl.u32 s15, $0x2;
	v0 =	vld [tilespmem:s16+$0xFFFFFFC0];
	[tilespmem:s17+$0x1020 ss:$0x81] =	vst.msk $0xffff, v5;
	s16 =	sadd.s32 $0x80, s16  }
0x3e: {  	s19 =	simm.s32 $0x4;
	s20 =	simm.s32 $0x8;
	s15 =	sor.u32 $0x8000, s15;
	[tilespmem:s17+$0x1830 ss:$0x81] =	vst.msk $0xffff, v6;
	v1 =	vld [tilespmem:s16+$0x30]  }
.LBB1_3:
0x3f: {  	p1 =	sne.s32 s20, $0x1FC;
	v5 =	vld [tilespmem:s16+$0xFFFFFFD0];
	[tilespmem:s17+$0x2040 ss:$0x81] =	vst.msk $0xffff, v4  }
0x40: {  	v6 =	vld [tilespmem:s16+$0xFFFFFFE0];
	[tilespmem:s17+$0x2850 ss:$0x81] =	vst.msk $0xffff, v3  }
0x41: {  	s21 =	sshra.s32 s19, $0x2;
	s19 =	smov.u32 s20;
	v7 =	vld [tilespmem:s16+$0xFFFFFFF0];
	[tilespmem:s17+$0x3060 ss:$0x81] =	vst.msk $0xffff, v2  }
.Ltmp3:
0x42: {  	v4 =	vld [tilespmem:s16+$0x0];
	[tilespmem:s17+$0x0 ss:$0x81] =	vst.msk $0xffff, v0;
	s17 =	sadd.s32 s21, s18;
	(pc) =	sbr.rel @p1 .LBB1_3-.Ltmp3, $4  }
0x43: {  	v3 =	vld [tilespmem:s16+$0x10];
	[tilespmem:s17+$0x3870 ss:$0x81] =	vst.msk $0xffff, v1  }
0x44: {  	[tilespmem:s17+$0x810 ss:$0x81] =	vst.msk $0xffff, v5;
	v2 =	vld [tilespmem:s16+$0x20]  }
0x45: {  	v0 =	vld [tilespmem:s16+$0xFFFFFFC0];
	[tilespmem:s17+$0x1020 ss:$0x81] =	vst.msk $0xffff, v6;
	s16 =	sadd.s32 $0x80, s16  }
0x46: {  	s20 =	sadd.s32 $0x4, s20;
	v1 =	vld [tilespmem:s16+$0x30];
	[tilespmem:s17+$0x1830 ss:$0x81] =	vst.msk $0xffff, v7  }
0x47: {  	s20 =	sshll.u32 s8, $0x7;
	s21 =	sshll.u32 s9, $0x3;
	s19 =	sshra.s32 s19, $0x2  }
0x48: {  	v5 =	vld [tilespmem:s16+$0xFFFFFFD0];
	[tilespmem:s17+$0x2040 ss:$0x81] =	vst.msk $0xffff, v4;
	p1 =	sgt.s32 s8, $0x18620;
	s22 =	sand.u32 $0xFFFFFC00, s20;
	s21 =	sand.u32 $0xFFFFFC00, s21  }
0x49: {  	v58 =	vld [tilespmem:s16+$0xFFFFFFE0];
	s24 =	sshra.s32 s8, $0x1F;
	s20 =	sand.u32 $0x380, s20;
	[tilespmem:s17+$0x2850 ss:$0x81] =	vst.msk $0xffff, v3;
	s21 =	sadd.s32 s21, s22  }
0x4a: {  	v59 =	vld [tilespmem:s16+$0xFFFFFFF0];
	s26 =	ssub.s32 $0x0, s9;
	s18 =	sadd.s32 s19, s18;
	[tilespmem:s17+$0x3060 ss:$0x81] =	vst.msk $0xffff, v2;
	s23 =	sor.u32 s20, s21  }
0x4b: {  	v60 =	vld [tilespmem:s16+$0x0];
	s28 =	smin.u32 s9, s26;
	s20 =	smov.u32 s8;
	[tilespmem:s17+$0x0 ss:$0x81] =	vst.msk $0xffff, v0;
	s19 =	sshrl.u32 s23, $0x7  }
0x4c: {  	v61 =	vld [tilespmem:s16+$0x10];
	s21 =	sand.u32 s24, s8;
	s20 =	simm.s32 @!p1 $0x18620;
	[tilespmem:s18+$0x3870 ss:$0x81] =	vst.msk $0xffff, v1;
	s25 =	smulhi.u32 $0x14F8B59, s19  }
0x4d: {  	v62 =	vld [tilespmem:s16+$0x20];
	s29 =	sshrl.u32 s9, $0x3;
	p2 =	sgt.s32 s28, $0x7F;
	s20 =	ssub.s32 s20, s21;
	[tilespmem:s18+$0x810 ss:$0x81] =	vst.msk $0xffff, v5  }
0x4e: {  	v63 =	vld [tilespmem:s16+$0xFFFFFFC0];
	[tilespmem:s18+$0x1020 ss:$0x81] =	vst.msk $0xffff, v58;
	s21 =	sadd.s32 $0xFFFE79E0, s20;
	s20 =	ssub.s32 $0x186A0, s20;
	s17 =	sshrl.u32 s25, $0x9  }
0x4f: {  	[tilespmem:s18+$0x1830 ss:$0x81] =	vst.msk $0xffff, v59;
	p1 =	sgt.s32 s21, $0x7F;
	s27 =	smul.u32 $0x186A0, s17;
	s17 =	ssub.s32 $0x80, s28  }
.Ltmp4:
0x50: {  	[tilespmem:s18+$0x2040 ss:$0x81] =	vst.msk $0xffff, v60;
	s20 =	simm.s32 @p1 $0x0;
	s17 =	simm.s32 @p2 $0x0;
	(pc) =	sbr.rel .LBB1_5-.Ltmp4, $4  }
0x51: {  	s30 =	sand.u32 $0xF, s29;
	[tilespmem:s18+$0x2850 ss:$0x81] =	vst.msk $0xffff, v61;
	s16 =	ssub.s32 s19, s27;
	s17 =	smul.u32 s17, s20  }
0x52: {  	[tilespmem:s18+$0x3060 ss:$0x81] =	vst.msk $0xffff, v62;
	s19 =	sadd.s32 s2, s30;
	s16 =	sshll.u32 s16, $0x4  }
0x53: {  	s31 =	sand.u32 $0x7, s9;
	[tilespmem:s18+$0x0 ss:$0x81] =	vst.msk $0xffff, v63;
	s17 =	sand.u32 $0x3FFFFFFF, s17;
	s16 =	sadd.s32 s16, s19  }
0x54: {  	[hbm4b:s16+s31] =	stream.linear.scatter [tilespmem:s15], [sflag:$0x2], s17, $0x20;
	[tilespmem:$0x10100] =	vst v63  }
.LBB1_6:
0x55: {  	_ =	sfence.sel $0x180000  }
0x56: {  	s2 =	simm.s32 $0x1;
	[bflag:$0x0] =	sbarrier.arrive $0xFFFF  }
0x57: {  	s31 =	simm.s32 $0x2;
	[sflag:s2] =	ssyncpa.u1 $0x1  }
0x58: {  	[sflag:s31] =	ssyncpa.u1 $0x1  }
0x59: {  	p0 =	sne.s32 s1, $0x0;
	_ =	strace $0x90000047  }
0x5a: {  	s0 =	sadd.s32 @!p0 $0x100000, s0;
	[bflag:$0x2] =	sbarrier.arrive $0xFFFF  }
0x5b: {  	[sflag:s0] =	ssyncadd.tile.s32 @!p0 $0x1;
	_ =	shalt  }
.Lfunc_end1:
_tile_overlayer_lowered:
.L_overlay_start_2:
0x5c: {  	(tag) =	ssettag $0x2  }
0x5d: {  	s0 =	rddreg [dreg:$0x0];
	s2 =	stileid.u32  }
0x5e: {  	s1 =	rddreg [dreg:$0x1];
	p0 =	sne.s32 s2, $0x0  }
0x5f: {  	s3 =	rddreg [dreg:$0x2];
	[bflag:$0x3] =	sbarrier.arrive $0xFFFF;
	s2 =	simm.s32 @!p0 $0x1C01  }
0x60: {  	[timem:s3], [sflag:s2] =	dma.local @!p0 [hbm:s0], s1  }
0x61: {  	s0 =	simm.s32 @!p0 $0x1  }
0x62: {  	_ =	swait.ge @!p0 [sflag:s0], s1  }
0x63: {  	s1 =	ssub.s32 @!p0 $0x0, s1;
	[sflag:s0] =	ssyncset.done @!p0 $0x0  }
0x64: {  	[sflag:s0] =	ssyncadd.s32 @!p0 s1  }
0x65: {  	[bflag:$0x3] =	sbarrier.arrive $0xFFFF  }
0x66: {  	_ =	shalt  }

</sc_bundles>
